<compile_context>
chip_gen: v7x
topology: tpu7x:2x2x1
jax: 0.10.2.dev20260603
libtpu: 0.0.44.dev20260713+nightly
codegen_flags: <defaults>
</compile_context>

<pallas_src>
import functools

import jax
import jax.numpy as jnp
from jax import lax
from jax.experimental import pallas as pl
from jax.experimental.pallas import tpu as pltpu
from jax.experimental.pallas import tpu_sc as plsc

M_ITEMS = 1_000_000
DIM = 16
LANES = 16
NUM_CORES = 2
NUM_SUBCORES = 16
NUM_WORKERS = NUM_CORES * NUM_SUBCORES
CHUNK = 1600
NCHUNKS = M_ITEMS // CHUNK
GROUPS = CHUNK // LANES
PAIRS = -(-NCHUNKS // NUM_WORKERS) // 2
KSTREAMS = 8
SUBW = CHUNK * DIM // KSTREAMS


def _sc_body(items_hbm, user_hbm, out_hbm,
             in0, in1, ou0, ou1, u_v,
             semh0, semh1, semo0, semo1):
    cid = lax.axis_index("c")
    sid = lax.axis_index("s")
    wid = sid * NUM_CORES + cid

    pltpu.sync_copy(user_hbm, u_v)
    u_vec = u_v[0, :]
    u = [u_vec[d] for d in range(DIM)]

    lanes = lax.iota(jnp.int32, LANES)
    idx = [lanes * DIM + d for d in range(DIM)]

    ins = (in0, in1)
    outs = (ou0, ou1)
    semh = (semh0, semh1)
    semo = (semo0, semo1)

    def sub_slices(c, b):
        base = pl.multiple_of(c * (CHUNK * DIM), CHUNK * DIM)
        for q in range(KSTREAMS):
            yield (items_hbm.at[pl.ds(base + q * SUBW, SUBW)],
                   ins[b].at[pl.ds(q * SUBW, SUBW)])

    def start_h(c, b):
        for src, dst in sub_slices(c, b):
            pltpu.async_copy(src, dst, semh[b])

    def wait_h(c, b):
        for src, dst in sub_slices(c, b):
            pltpu.make_async_copy(src, dst, semh[b]).wait()

    def out_slice(c):
        row0 = pl.multiple_of(c * CHUNK, CHUNK)
        return out_hbm.at[pl.ds(row0, CHUNK)]

    def start_o(c, b):
        pltpu.async_copy(outs[b], out_slice(c), semo[b])

    def wait_o(c, b):
        pltpu.make_async_copy(outs[b], out_slice(c), semo[b]).wait()

    def compute(b):
        in_v = ins[b]
        out_v = outs[b]

        def grp(g, carry):
            base = g * (LANES * DIM)
            ix = [idx[d] + base for d in range(DIM)]
            acc0 = u[0] * plsc.load_gather(in_v, [ix[0]])
            acc1 = u[1] * plsc.load_gather(in_v, [ix[1]])
            acc2 = u[2] * plsc.load_gather(in_v, [ix[2]])
            acc3 = u[3] * plsc.load_gather(in_v, [ix[3]])
            for d in range(4, DIM, 4):
                acc0 += u[d] * plsc.load_gather(in_v, [ix[d]])
                acc1 += u[d + 1] * plsc.load_gather(in_v, [ix[d + 1]])
                acc2 += u[d + 2] * plsc.load_gather(in_v, [ix[d + 2]])
                acc3 += u[d + 3] * plsc.load_gather(in_v, [ix[d + 3]])
            out_v[pl.ds(g * LANES, LANES)] = (acc0 + acc1) + (acc2 + acc3)
            return carry

        lax.fori_loop(0, GROUPS, grp, 0)

    def sub_iter(j, off):
        b = off
        nb = 1 - off
        c = wid + 64 * j + 32 * off

        @pl.when(c < NCHUNKS)
        def _():
            wait_h(c, b)

            @pl.when(c + NUM_WORKERS < NCHUNKS)
            def _():
                start_h(c + NUM_WORKERS, nb)

            @pl.when(2 * j + off >= 2)
            def _():
                wait_o(c - 2 * NUM_WORKERS, b)

            compute(b)
            start_o(c, b)

    start_h(wid, 0)

    def pair_body(j, carry):
        sub_iter(j, 0)
        sub_iter(j, 1)
        return carry

    lax.fori_loop(0, PAIRS, pair_body, 0)

    wait_o(wid, 0)
    wait_o(wid, 1)


@functools.partial(jax.jit, static_argnames=())
def kernel(items_emb, user_emb):
    mesh = plsc.VectorSubcoreMesh(
        core_axis_name="c", subcore_axis_name="s",
        num_cores=NUM_CORES, num_subcores=NUM_SUBCORES,
    )
    run = pl.kernel(
        _sc_body,
        out_type=jax.ShapeDtypeStruct((M_ITEMS,), jnp.float32),
        mesh=mesh,
        scratch_types=[
            pltpu.VMEM((CHUNK * DIM,), jnp.float32),
            pltpu.VMEM((CHUNK * DIM,), jnp.float32),
            pltpu.VMEM((CHUNK,), jnp.float32),
            pltpu.VMEM((CHUNK,), jnp.float32),
            pltpu.VMEM((1, DIM), jnp.float32),
            pltpu.SemaphoreType.DMA,
            pltpu.SemaphoreType.DMA,
            pltpu.SemaphoreType.DMA,
            pltpu.SemaphoreType.DMA,
        ],
        compiler_params=pltpu.CompilerParams(needs_layout_passes=False),
    )
    return run(items_emb.reshape(M_ITEMS * DIM), user_emb)

# --- scband reference (transcript-rebuilt; emitter-appended) ---
"""Pipeline reference for scband-fed-rec-client-defense-52166672777627 (READ-ONLY COPY).

The authoritative reference and input builder live on the scoring server;
editing this copy changes nothing except your own understanding.
"""

import jax, jax.numpy as jnp
import numpy as np

M_ITEM = 1000000
DIM = 16

def setup_inputs(seed: int = 0) -> dict:
    key = jax.random.key(seed)
    k1, k2 = jax.random.split(key)
    items_emb = jax.random.normal(k1, (M_ITEM, DIM), dtype=jnp.float32)
    # nn.Embedding(1, dim) with normal_(std=0.01)
    user_emb = jax.random.normal(k2, (1, DIM), dtype=jnp.float32) * 0.01
    return {"items_emb": items_emb, "user_emb": user_emb}

def reference(items_emb, user_emb):
    # scores = torch.sum(self._user_emb.weight * items_emb, dim=-1)
    # user_emb [1, dim] broadcasts against items_emb [M, dim] -> scores [M]
    scores = jnp.sum(user_emb * items_emb, axis=-1)
    return scores

if __name__ == "__main__":
    import jax
    _d = setup_inputs()
    print(jax.jit(kernel)(*tuple(_d.values())))

</pallas_src>

<mosaic_0001>
#map = affine_map<(d0, d1) -> (0)>
#map1 = affine_map<(d0, d1) -> (0, 0)>
module attributes {stable_mosaic.version = 14 : i64} {
  func.func @_sc_body(%arg0: i32, %arg1: i32, %arg2: memref<16000000xf32, #tpu.memory_space<hbm>>, %arg3: memref<1x16xf32, #tpu.memory_space<hbm>>, %arg4: memref<1000000xf32, #tpu.memory_space<hbm>>, %arg5: memref<25600xf32, #tpu.memory_space<vmem>>, %arg6: memref<25600xf32, #tpu.memory_space<vmem>>, %arg7: memref<1600xf32, #tpu.memory_space<vmem>>, %arg8: memref<1600xf32, #tpu.memory_space<vmem>>, %arg9: memref<1x16xf32, #tpu.memory_space<vmem>>, %arg10: memref<!tpu.dma_semaphore, #tpu.memory_space<semaphore_mem>>, %arg11: memref<!tpu.dma_semaphore, #tpu.memory_space<semaphore_mem>>, %arg12: memref<!tpu.dma_semaphore, #tpu.memory_space<semaphore_mem>>, %arg13: memref<!tpu.dma_semaphore, #tpu.memory_space<semaphore_mem>>) attributes {dimension_semantics = [#tpu.dimension_semantics<core_parallel>, #tpu.dimension_semantics<subcore_parallel>], iteration_bounds = array<i64: 2, 16>, scalar_prefetch = 0 : i64, scratch_operands = 9 : i64, tpu.core_type = #tpu.core_type<sc_vector_subcore>, window_params = [{transform_indices = #map}, {transform_indices = #map1}, {transform_indices = #map}]} {
    %mul3A = arith.constant 2 : i32
    %mul3A_0 = arith.muli %arg1, %mul3A : i32
    %add3A = arith.addi %mul3A_0, %arg0 : i32
    "tpu.region"() ({
      %run_scoped3A = tpu.sem_alloc : memref<!tpu.dma_semaphore, #tpu.memory_space<semaphore_mem>>
      tpu.enqueue_dma source(%arg3 : memref<1x16xf32, #tpu.memory_space<hbm>>) target(%arg9 : memref<1x16xf32, #tpu.memory_space<vmem>>) target_semaphore(%run_scoped3A : memref<!tpu.dma_semaphore, #tpu.memory_space<semaphore_mem>>)
      tpu.wait_dma2 semaphore(%run_scoped3A : memref<!tpu.dma_semaphore, #tpu.memory_space<semaphore_mem>>) src(%arg3 : memref<1x16xf32, #tpu.memory_space<hbm>>) dst(%arg9 : memref<1x16xf32, #tpu.memory_space<vmem>>)
      tpu.yield
    }) : () -> ()
    %get3A = arith.constant 0 : i32
    %get3A_1 = arith.index_cast %get3A : i32 to index
    %get3A_2 = arith.constant 0 : index
    %get3A_3 = tpu.vector_load %arg9[%get3A_1, %get3A_2] {strides = array<i32>} : memref<1x16xf32, #tpu.memory_space<vmem>>, vector<16xf32>,
    %slice3A = vector.extract_strided_slice %get3A_3 {offsets = [0], sizes = [1], strides = [1]} : vector<16xf32> to vector<1xf32>
    %squeeze3A = vector.extract %slice3A[0] : f32 from vector<1xf32>
    %slice3A_4 = vector.extract_strided_slice %get3A_3 {offsets = [1], sizes = [1], strides = [1]} : vector<16xf32> to vector<1xf32>
    %squeeze3A_5 = vector.extract %slice3A_4[0] : f32 from vector<1xf32>
    %slice3A_6 = vector.extract_strided_slice %get3A_3 {offsets = [2], sizes = [1], strides = [1]} : vector<16xf32> to vector<1xf32>
    %squeeze3A_7 = vector.extract %slice3A_6[0] : f32 from vector<1xf32>
    %slice3A_8 = vector.extract_strided_slice %get3A_3 {offsets = [3], sizes = [1], strides = [1]} : vector<16xf32> to vector<1xf32>
    %squeeze3A_9 = vector.extract %slice3A_8[0] : f32 from vector<1xf32>
    %slice3A_10 = vector.extract_strided_slice %get3A_3 {offsets = [4], sizes = [1], strides = [1]} : vector<16xf32> to vector<1xf32>
    %squeeze3A_11 = vector.extract %slice3A_10[0] : f32 from vector<1xf32>
    %slice3A_12 = vector.extract_strided_slice %get3A_3 {offsets = [5], sizes = [1], strides = [1]} : vector<16xf32> to vector<1xf32>
    %squeeze3A_13 = vector.extract %slice3A_12[0] : f32 from vector<1xf32>
    %slice3A_14 = vector.extract_strided_slice %get3A_3 {offsets = [6], sizes = [1], strides = [1]} : vector<16xf32> to vector<1xf32>
    %squeeze3A_15 = vector.extract %slice3A_14[0] : f32 from vector<1xf32>
    %slice3A_16 = vector.extract_strided_slice %get3A_3 {offsets = [7], sizes = [1], strides = [1]} : vector<16xf32> to vector<1xf32>
    %squeeze3A_17 = vector.extract %slice3A_16[0] : f32 from vector<1xf32>
    %slice3A_18 = vector.extract_strided_slice %get3A_3 {offsets = [8], sizes = [1], strides = [1]} : vector<16xf32> to vector<1xf32>
    %squeeze3A_19 = vector.extract %slice3A_18[0] : f32 from vector<1xf32>
    %slice3A_20 = vector.extract_strided_slice %get3A_3 {offsets = [9], sizes = [1], strides = [1]} : vector<16xf32> to vector<1xf32>
    %squeeze3A_21 = vector.extract %slice3A_20[0] : f32 from vector<1xf32>
    %slice3A_22 = vector.extract_strided_slice %get3A_3 {offsets = [10], sizes = [1], strides = [1]} : vector<16xf32> to vector<1xf32>
    %squeeze3A_23 = vector.extract %slice3A_22[0] : f32 from vector<1xf32>
    %slice3A_24 = vector.extract_strided_slice %get3A_3 {offsets = [11], sizes = [1], strides = [1]} : vector<16xf32> to vector<1xf32>
    %squeeze3A_25 = vector.extract %slice3A_24[0] : f32 from vector<1xf32>
    %slice3A_26 = vector.extract_strided_slice %get3A_3 {offsets = [12], sizes = [1], strides = [1]} : vector<16xf32> to vector<1xf32>
    %squeeze3A_27 = vector.extract %slice3A_26[0] : f32 from vector<1xf32>
    %slice3A_28 = vector.extract_strided_slice %get3A_3 {offsets = [13], sizes = [1], strides = [1]} : vector<16xf32> to vector<1xf32>
    %squeeze3A_29 = vector.extract %slice3A_28[0] : f32 from vector<1xf32>
    %slice3A_30 = vector.extract_strided_slice %get3A_3 {offsets = [14], sizes = [1], strides = [1]} : vector<16xf32> to vector<1xf32>
    %squeeze3A_31 = vector.extract %slice3A_30[0] : f32 from vector<1xf32>
    %slice3A_32 = vector.extract_strided_slice %get3A_3 {offsets = [15], sizes = [1], strides = [1]} : vector<16xf32> to vector<1xf32>
    %squeeze3A_33 = vector.extract %slice3A_32[0] : f32 from vector<1xf32>
    %iota3A = tpu.iota {dimensions = array<i32: 0>} : vector<16xi32>
    %mul3A_34 = arith.constant 16 : i32
    %mul3A_35 = vector.broadcast %mul3A_34 : i32 to vector<16xi32>
    %mul3A_36 = arith.muli %iota3A, %mul3A_35 : vector<16xi32>
    %add3A_37 = arith.constant 0 : i32
    %add3A_38 = vector.broadcast %add3A_37 : i32 to vector<16xi32>
    %add3A_39 = arith.addi %mul3A_36, %add3A_38 : vector<16xi32>
    %mul3A_40 = arith.constant 16 : i32
    %mul3A_41 = vector.broadcast %mul3A_40 : i32 to vector<16xi32>
    %mul3A_42 = arith.muli %iota3A, %mul3A_41 : vector<16xi32>
    %add3A_43 = arith.constant 1 : i32
    %add3A_44 = vector.broadcast %add3A_43 : i32 to vector<16xi32>
    %add3A_45 = arith.addi %mul3A_42, %add3A_44 : vector<16xi32>
    %mul3A_46 = arith.constant 16 : i32
    %mul3A_47 = vector.broadcast %mul3A_46 : i32 to vector<16xi32>
    %mul3A_48 = arith.muli %iota3A, %mul3A_47 : vector<16xi32>
    %add3A_49 = arith.constant 2 : i32
    %add3A_50 = vector.broadcast %add3A_49 : i32 to vector<16xi32>
    %add3A_51 = arith.addi %mul3A_48, %add3A_50 : vector<16xi32>
    %mul3A_52 = arith.constant 16 : i32
    %mul3A_53 = vector.broadcast %mul3A_52 : i32 to vector<16xi32>
    %mul3A_54 = arith.muli %iota3A, %mul3A_53 : vector<16xi32>
    %add3A_55 = arith.constant 3 : i32
    %add3A_56 = vector.broadcast %add3A_55 : i32 to vector<16xi32>
    %add3A_57 = arith.addi %mul3A_54, %add3A_56 : vector<16xi32>
    %mul3A_58 = arith.constant 16 : i32
    %mul3A_59 = vector.broadcast %mul3A_58 : i32 to vector<16xi32>
    %mul3A_60 = arith.muli %iota3A, %mul3A_59 : vector<16xi32>
    %add3A_61 = arith.constant 4 : i32
    %add3A_62 = vector.broadcast %add3A_61 : i32 to vector<16xi32>
    %add3A_63 = arith.addi %mul3A_60, %add3A_62 : vector<16xi32>
    %mul3A_64 = arith.constant 16 : i32
    %mul3A_65 = vector.broadcast %mul3A_64 : i32 to vector<16xi32>
    %mul3A_66 = arith.muli %iota3A, %mul3A_65 : vector<16xi32>
    %add3A_67 = arith.constant 5 : i32
    %add3A_68 = vector.broadcast %add3A_67 : i32 to vector<16xi32>
    %add3A_69 = arith.addi %mul3A_66, %add3A_68 : vector<16xi32>
    %mul3A_70 = arith.constant 16 : i32
    %mul3A_71 = vector.broadcast %mul3A_70 : i32 to vector<16xi32>
    %mul3A_72 = arith.muli %iota3A, %mul3A_71 : vector<16xi32>
    %add3A_73 = arith.constant 6 : i32
    %add3A_74 = vector.broadcast %add3A_73 : i32 to vector<16xi32>
    %add3A_75 = arith.addi %mul3A_72, %add3A_74 : vector<16xi32>
    %mul3A_76 = arith.constant 16 : i32
    %mul3A_77 = vector.broadcast %mul3A_76 : i32 to vector<16xi32>
    %mul3A_78 = arith.muli %iota3A, %mul3A_77 : vector<16xi32>
    %add3A_79 = arith.constant 7 : i32
    %add3A_80 = vector.broadcast %add3A_79 : i32 to vector<16xi32>
    %add3A_81 = arith.addi %mul3A_78, %add3A_80 : vector<16xi32>
    %mul3A_82 = arith.constant 16 : i32
    %mul3A_83 = vector.broadcast %mul3A_82 : i32 to vector<16xi32>
    %mul3A_84 = arith.muli %iota3A, %mul3A_83 : vector<16xi32>
    %add3A_85 = arith.constant 8 : i32
    %add3A_86 = vector.broadcast %add3A_85 : i32 to vector<16xi32>
    %add3A_87 = arith.addi %mul3A_84, %add3A_86 : vector<16xi32>
    %mul3A_88 = arith.constant 16 : i32
    %mul3A_89 = vector.broadcast %mul3A_88 : i32 to vector<16xi32>
    %mul3A_90 = arith.muli %iota3A, %mul3A_89 : vector<16xi32>
    %add3A_91 = arith.constant 9 : i32
    %add3A_92 = vector.broadcast %add3A_91 : i32 to vector<16xi32>
    %add3A_93 = arith.addi %mul3A_90, %add3A_92 : vector<16xi32>
    %mul3A_94 = arith.constant 16 : i32
    %mul3A_95 = vector.broadcast %mul3A_94 : i32 to vector<16xi32>
    %mul3A_96 = arith.muli %iota3A, %mul3A_95 : vector<16xi32>
    %add3A_97 = arith.constant 10 : i32
    %add3A_98 = vector.broadcast %add3A_97 : i32 to vector<16xi32>
    %add3A_99 = arith.addi %mul3A_96, %add3A_98 : vector<16xi32>
    %mul3A_100 = arith.constant 16 : i32
    %mul3A_101 = vector.broadcast %mul3A_100 : i32 to vector<16xi32>
    %mul3A_102 = arith.muli %iota3A, %mul3A_101 : vector<16xi32>
    %add3A_103 = arith.constant 11 : i32
    %add3A_104 = vector.broadcast %add3A_103 : i32 to vector<16xi32>
    %add3A_105 = arith.addi %mul3A_102, %add3A_104 : vector<16xi32>
    %mul3A_106 = arith.constant 16 : i32
    %mul3A_107 = vector.broadcast %mul3A_106 : i32 to vector<16xi32>
    %mul3A_108 = arith.muli %iota3A, %mul3A_107 : vector<16xi32>
    %add3A_109 = arith.constant 12 : i32
    %add3A_110 = vector.broadcast %add3A_109 : i32 to vector<16xi32>
    %add3A_111 = arith.addi %mul3A_108, %add3A_110 : vector<16xi32>
    %mul3A_112 = arith.constant 16 : i32
    %mul3A_113 = vector.broadcast %mul3A_112 : i32 to vector<16xi32>
    %mul3A_114 = arith.muli %iota3A, %mul3A_113 : vector<16xi32>
    %add3A_115 = arith.constant 13 : i32
    %add3A_116 = vector.broadcast %add3A_115 : i32 to vector<16xi32>
    %add3A_117 = arith.addi %mul3A_114, %add3A_116 : vector<16xi32>
    %mul3A_118 = arith.constant 16 : i32
    %mul3A_119 = vector.broadcast %mul3A_118 : i32 to vector<16xi32>
    %mul3A_120 = arith.muli %iota3A, %mul3A_119 : vector<16xi32>
    %add3A_121 = arith.constant 14 : i32
    %add3A_122 = vector.broadcast %add3A_121 : i32 to vector<16xi32>
    %add3A_123 = arith.addi %mul3A_120, %add3A_122 : vector<16xi32>
    %mul3A_124 = arith.constant 16 : i32
    %mul3A_125 = vector.broadcast %mul3A_124 : i32 to vector<16xi32>
    %mul3A_126 = arith.muli %iota3A, %mul3A_125 : vector<16xi32>
    %add3A_127 = arith.constant 15 : i32
    %add3A_128 = vector.broadcast %add3A_127 : i32 to vector<16xi32>
    %add3A_129 = arith.addi %mul3A_126, %add3A_128 : vector<16xi32>
    %mul3A_130 = arith.constant 25600 : i32
    %mul3A_131 = arith.muli %add3A, %mul3A_130 : i32
    %multiple_of3A = tpu.assume_multiple %mul3A_131, 25600 : i32
    %add3A_132 = arith.constant 0 : i32
    %add3A_133 = arith.addi %multiple_of3A, %add3A_132 : i32
    %dma_start3A = arith.constant 0 : i32
    %dma_start3A_134 = tpu.memref_slice %arg5[%dma_start3A] : memref<25600xf32, #tpu.memory_space<vmem>> -> memref<3200xf32, #tpu.memory_space<vmem>>
    %dma_start3A_135 = tpu.memref_slice %arg2[%add3A_133] : memref<16000000xf32, #tpu.memory_space<hbm>> -> memref<3200xf32, #tpu.memory_space<hbm>>
    %dma_start3A_136 = arith.constant 0 : i32
    %dma_start3A_137 = tpu.memref_slice %arg5[%dma_start3A_136] : memref<25600xf32, #tpu.memory_space<vmem>> -> memref<3200xf32, #tpu.memory_space<vmem>>
    %dma_start3A_138 = tpu.memref_slice %arg2[%add3A_133] : memref<16000000xf32, #tpu.memory_space<hbm>> -> memref<3200xf32, #tpu.memory_space<hbm>>
    tpu.enqueue_dma source(%dma_start3A_138 : memref<3200xf32, #tpu.memory_space<hbm>>) target(%dma_start3A_137 : memref<3200xf32, #tpu.memory_space<vmem>>) target_semaphore(%arg10 : memref<!tpu.dma_semaphore, #tpu.memory_space<semaphore_mem>>)
    %add3A_139 = arith.constant 3200 : i32
    %add3A_140 = arith.addi %multiple_of3A, %add3A_139 : i32
    %dma_start3A_141 = arith.constant 3200 : i32
    %dma_start3A_142 = tpu.memref_slice %arg5[%dma_start3A_141] : memref<25600xf32, #tpu.memory_space<vmem>> -> memref<3200xf32, #tpu.memory_space<vmem>>
    %dma_start3A_143 = tpu.memref_slice %arg2[%add3A_140] : memref<16000000xf32, #tpu.memory_space<hbm>> -> memref<3200xf32, #tpu.memory_space<hbm>>
    %dma_start3A_144 = arith.constant 3200 : i32
    %dma_start3A_145 = tpu.memref_slice %arg5[%dma_start3A_144] : memref<25600xf32, #tpu.memory_space<vmem>> -> memref<3200xf32, #tpu.memory_space<vmem>>
    %dma_start3A_146 = tpu.memref_slice %arg2[%add3A_140] : memref<16000000xf32, #tpu.memory_space<hbm>> -> memref<3200xf32, #tpu.memory_space<hbm>>
    tpu.enqueue_dma source(%dma_start3A_146 : memref<3200xf32, #tpu.memory_space<hbm>>) target(%dma_start3A_145 : memref<3200xf32, #tpu.memory_space<vmem>>) target_semaphore(%arg10 : memref<!tpu.dma_semaphore, #tpu.memory_space<semaphore_mem>>)
    %add3A_147 = arith.constant 6400 : i32
    %add3A_148 = arith.addi %multiple_of3A, %add3A_147 : i32
    %dma_start3A_149 = arith.constant 6400 : i32
    %dma_start3A_150 = tpu.memref_slice %arg5[%dma_start3A_149] : memref<25600xf32, #tpu.memory_space<vmem>> -> memref<3200xf32, #tpu.memory_space<vmem>>
    %dma_start3A_151 = tpu.memref_slice %arg2[%add3A_148] : memref<16000000xf32, #tpu.memory_space<hbm>> -> memref<3200xf32, #tpu.memory_space<hbm>>
    %dma_start3A_152 = arith.constant 6400 : i32
    %dma_start3A_153 = tpu.memref_slice %arg5[%dma_start3A_152] : memref<25600xf32, #tpu.memory_space<vmem>> -> memref<3200xf32, #tpu.memory_space<vmem>>
    %dma_start3A_154 = tpu.memref_slice %arg2[%add3A_148] : memref<16000000xf32, #tpu.memory_space<hbm>> -> memref<3200xf32, #tpu.memory_space<hbm>>
    tpu.enqueue_dma source(%dma_start3A_154 : memref<3200xf32, #tpu.memory_space<hbm>>) target(%dma_start3A_153 : memref<3200xf32, #tpu.memory_space<vmem>>) target_semaphore(%arg10 : memref<!tpu.dma_semaphore, #tpu.memory_space<semaphore_mem>>)
    %add3A_155 = arith.constant 9600 : i32
    %add3A_156 = arith.addi %multiple_of3A, %add3A_155 : i32
    %dma_start3A_157 = arith.constant 9600 : i32
    %dma_start3A_158 = tpu.memref_slice %arg5[%dma_start3A_157] : memref<25600xf32, #tpu.memory_space<vmem>> -> memref<3200xf32, #tpu.memory_space<vmem>>
    %dma_start3A_159 = tpu.memref_slice %arg2[%add3A_156] : memref<16000000xf32, #tpu.memory_space<hbm>> -> memref<3200xf32, #tpu.memory_space<hbm>>
    %dma_start3A_160 = arith.constant 9600 : i32
    %dma_start3A_161 = tpu.memref_slice %arg5[%dma_start3A_160] : memref<25600xf32, #tpu.memory_space<vmem>> -> memref<3200xf32, #tpu.memory_space<vmem>>
    %dma_start3A_162 = tpu.memref_slice %arg2[%add3A_156] : memref<16000000xf32, #tpu.memory_space<hbm>> -> memref<3200xf32, #tpu.memory_space<hbm>>
    tpu.enqueue_dma source(%dma_start3A_162 : memref<3200xf32, #tpu.memory_space<hbm>>) target(%dma_start3A_161 : memref<3200xf32, #tpu.memory_space<vmem>>) target_semaphore(%arg10 : memref<!tpu.dma_semaphore, #tpu.memory_space<semaphore_mem>>)
    %add3A_163 = arith.constant 12800 : i32
    %add3A_164 = arith.addi %multiple_of3A, %add3A_163 : i32
    %dma_start3A_165 = arith.constant 12800 : i32
    %dma_start3A_166 = tpu.memref_slice %arg5[%dma_start3A_165] : memref<25600xf32, #tpu.memory_space<vmem>> -> memref<3200xf32, #tpu.memory_space<vmem>>
    %dma_start3A_167 = tpu.memref_slice %arg2[%add3A_164] : memref<16000000xf32, #tpu.memory_space<hbm>> -> memref<3200xf32, #tpu.memory_space<hbm>>
    %dma_start3A_168 = arith.constant 12800 : i32
    %dma_start3A_169 = tpu.memref_slice %arg5[%dma_start3A_168] : memref<25600xf32, #tpu.memory_space<vmem>> -> memref<3200xf32, #tpu.memory_space<vmem>>
    %dma_start3A_170 = tpu.memref_slice %arg2[%add3A_164] : memref<16000000xf32, #tpu.memory_space<hbm>> -> memref<3200xf32, #tpu.memory_space<hbm>>
    tpu.enqueue_dma source(%dma_start3A_170 : memref<3200xf32, #tpu.memory_space<hbm>>) target(%dma_start3A_169 : memref<3200xf32, #tpu.memory_space<vmem>>) target_semaphore(%arg10 : memref<!tpu.dma_semaphore, #tpu.memory_space<semaphore_mem>>)
    %add3A_171 = arith.constant 16000 : i32
    %add3A_172 = arith.addi %multiple_of3A, %add3A_171 : i32
    %dma_start3A_173 = arith.constant 16000 : i32
    %dma_start3A_174 = tpu.memref_slice %arg5[%dma_start3A_173] : memref<25600xf32, #tpu.memory_space<vmem>> -> memref<3200xf32, #tpu.memory_space<vmem>>
    %dma_start3A_175 = tpu.memref_slice %arg2[%add3A_172] : memref<16000000xf32, #tpu.memory_space<hbm>> -> memref<3200xf32, #tpu.memory_space<hbm>>
    %dma_start3A_176 = arith.constant 16000 : i32
    %dma_start3A_177 = tpu.memref_slice %arg5[%dma_start3A_176] : memref<25600xf32, #tpu.memory_space<vmem>> -> memref<3200xf32, #tpu.memory_space<vmem>>
    %dma_start3A_178 = tpu.memref_slice %arg2[%add3A_172] : memref<16000000xf32, #tpu.memory_space<hbm>> -> memref<3200xf32, #tpu.memory_space<hbm>>
    tpu.enqueue_dma source(%dma_start3A_178 : memref<3200xf32, #tpu.memory_space<hbm>>) target(%dma_start3A_177 : memref<3200xf32, #tpu.memory_space<vmem>>) target_semaphore(%arg10 : memref<!tpu.dma_semaphore, #tpu.memory_space<semaphore_mem>>)
    %add3A_179 = arith.constant 19200 : i32
    %add3A_180 = arith.addi %multiple_of3A, %add3A_179 : i32
    %dma_start3A_181 = arith.constant 19200 : i32
    %dma_start3A_182 = tpu.memref_slice %arg5[%dma_start3A_181] : memref<25600xf32, #tpu.memory_space<vmem>> -> memref<3200xf32, #tpu.memory_space<vmem>>
    %dma_start3A_183 = tpu.memref_slice %arg2[%add3A_180] : memref<16000000xf32, #tpu.memory_space<hbm>> -> memref<3200xf32, #tpu.memory_space<hbm>>
    %dma_start3A_184 = arith.constant 19200 : i32
    %dma_start3A_185 = tpu.memref_slice %arg5[%dma_start3A_184] : memref<25600xf32, #tpu.memory_space<vmem>> -> memref<3200xf32, #tpu.memory_space<vmem>>
    %dma_start3A_186 = tpu.memref_slice %arg2[%add3A_180] : memref<16000000xf32, #tpu.memory_space<hbm>> -> memref<3200xf32, #tpu.memory_space<hbm>>
    tpu.enqueue_dma source(%dma_start3A_186 : memref<3200xf32, #tpu.memory_space<hbm>>) target(%dma_start3A_185 : memref<3200xf32, #tpu.memory_space<vmem>>) target_semaphore(%arg10 : memref<!tpu.dma_semaphore, #tpu.memory_space<semaphore_mem>>)
    %add3A_187 = arith.constant 22400 : i32
    %add3A_188 = arith.addi %multiple_of3A, %add3A_187 : i32
    %dma_start3A_189 = arith.constant 22400 : i32
    %dma_start3A_190 = tpu.memref_slice %arg5[%dma_start3A_189] : memref<25600xf32, #tpu.memory_space<vmem>> -> memref<3200xf32, #tpu.memory_space<vmem>>
    %dma_start3A_191 = tpu.memref_slice %arg2[%add3A_188] : memref<16000000xf32, #tpu.memory_space<hbm>> -> memref<3200xf32, #tpu.memory_space<hbm>>
    %dma_start3A_192 = arith.constant 22400 : i32
    %dma_start3A_193 = tpu.memref_slice %arg5[%dma_start3A_192] : memref<25600xf32, #tpu.memory_space<vmem>> -> memref<3200xf32, #tpu.memory_space<vmem>>
    %dma_start3A_194 = tpu.memref_slice %arg2[%add3A_188] : memref<16000000xf32, #tpu.memory_space<hbm>> -> memref<3200xf32, #tpu.memory_space<hbm>>
    tpu.enqueue_dma source(%dma_start3A_194 : memref<3200xf32, #tpu.memory_space<hbm>>) target(%dma_start3A_193 : memref<3200xf32, #tpu.memory_space<vmem>>) target_semaphore(%arg10 : memref<!tpu.dma_semaphore, #tpu.memory_space<semaphore_mem>>)
    %scan3A = arith.constant 0 : i32
    %scan3A_195 = arith.constant 0 : i32
    %scan3A_196 = arith.constant 10 : i32
    %scan3A_197 = arith.addi %scan3A_195, %scan3A_196 : i32
    %scan3A_198 = arith.constant 1 : i32
    scf.for %scan3A_209 = %scan3A_195 to %scan3A_197 step %scan3A_198  : i32 {
      %mul3A_210 = arith.constant 64 : i32
      %mul3A_211 = arith.muli %mul3A_210, %scan3A_209 : i32
      %add3A_212 = arith.addi %add3A, %mul3A_211 : i32
      %add3A_213 = arith.constant 0 : i32
      %add3A_214 = arith.addi %add3A_212, %add3A_213 : i32
      %lt3A = arith.constant 625 : i32
      %lt3A_215 = arith.cmpi slt, %add3A_214, %lt3A : i32
      %convert_element_type3A = arith.extui %lt3A_215 : i1 to i32
      %cond3A = arith.constant 0 : i32
      %cond3A_216 = arith.cmpi ne, %convert_element_type3A, %cond3A : i32
      scf.if %cond3A_216 {
        %mul3A_227 = arith.constant 25600 : i32
        %mul3A_228 = arith.muli %add3A_214, %mul3A_227 : i32
        %multiple_of3A_229 = tpu.assume_multiple %mul3A_228, 25600 : i32
        %add3A_230 = arith.constant 0 : i32
        %add3A_231 = arith.addi %multiple_of3A_229, %add3A_230 : i32
        %dma_wait3A_232 = arith.constant 0 : i32
        %dma_wait3A_233 = tpu.memref_slice %arg5[%dma_wait3A_232] : memref<25600xf32, #tpu.memory_space<vmem>> -> memref<3200xf32, #tpu.memory_space<vmem>>
        %dma_wait3A_234 = tpu.memref_slice %arg2[%add3A_231] : memref<16000000xf32, #tpu.memory_space<hbm>> -> memref<3200xf32, #tpu.memory_space<hbm>>
        %dma_wait3A_235 = arith.constant 0 : i32
        %dma_wait3A_236 = tpu.memref_slice %arg5[%dma_wait3A_235] : memref<25600xf32, #tpu.memory_space<vmem>> -> memref<3200xf32, #tpu.memory_space<vmem>>
        %dma_wait3A_237 = tpu.memref_slice %arg2[%add3A_231] : memref<16000000xf32, #tpu.memory_space<hbm>> -> memref<3200xf32, #tpu.memory_space<hbm>>
        tpu.wait_dma2 semaphore(%arg10 : memref<!tpu.dma_semaphore, #tpu.memory_space<semaphore_mem>>) src(%dma_wait3A_237 : memref<3200xf32, #tpu.memory_space<hbm>>) dst(%dma_wait3A_236 : memref<3200xf32, #tpu.memory_space<vmem>>)
        %add3A_238 = arith.constant 3200 : i32
        %add3A_239 = arith.addi %multiple_of3A_229, %add3A_238 : i32
        %dma_wait3A_240 = arith.constant 3200 : i32
        %dma_wait3A_241 = tpu.memref_slice %arg5[%dma_wait3A_240] : memref<25600xf32, #tpu.memory_space<vmem>> -> memref<3200xf32, #tpu.memory_space<vmem>>
        %dma_wait3A_242 = tpu.memref_slice %arg2[%add3A_239] : memref<16000000xf32, #tpu.memory_space<hbm>> -> memref<3200xf32, #tpu.memory_space<hbm>>
        %dma_wait3A_243 = arith.constant 3200 : i32
        %dma_wait3A_244 = tpu.memref_slice %arg5[%dma_wait3A_243] : memref<25600xf32, #tpu.memory_space<vmem>> -> memref<3200xf32, #tpu.memory_space<vmem>>
        %dma_wait3A_245 = tpu.memref_slice %arg2[%add3A_239] : memref<16000000xf32, #tpu.memory_space<hbm>> -> memref<3200xf32, #tpu.memory_space<hbm>>
        tpu.wait_dma2 semaphore(%arg10 : memref<!tpu.dma_semaphore, #tpu.memory_space<semaphore_mem>>) src(%dma_wait3A_245 : memref<3200xf32, #tpu.memory_space<hbm>>) dst(%dma_wait3A_244 : memref<3200xf32, #tpu.memory_space<vmem>>)
        %add3A_246 = arith.constant 6400 : i32
        %add3A_247 = arith.addi %multiple_of3A_229, %add3A_246 : i32
        %dma_wait3A_248 = arith.constant 6400 : i32
        %dma_wait3A_249 = tpu.memref_slice %arg5[%dma_wait3A_248] : memref<25600xf32, #tpu.memory_space<vmem>> -> memref<3200xf32, #tpu.memory_space<vmem>>
        %dma_wait3A_250 = tpu.memref_slice %arg2[%add3A_247] : memref<16000000xf32, #tpu.memory_space<hbm>> -> memref<3200xf32, #tpu.memory_space<hbm>>
        %dma_wait3A_251 = arith.constant 6400 : i32
        %dma_wait3A_252 = tpu.memref_slice %arg5[%dma_wait3A_251] : memref<25600xf32, #tpu.memory_space<vmem>> -> memref<3200xf32, #tpu.memory_space<vmem>>
        %dma_wait3A_253 = tpu.memref_slice %arg2[%add3A_247] : memref<16000000xf32, #tpu.memory_space<hbm>> -> memref<3200xf32, #tpu.memory_space<hbm>>
        tpu.wait_dma2 semaphore(%arg10 : memref<!tpu.dma_semaphore, #tpu.memory_space<semaphore_mem>>) src(%dma_wait3A_253 : memref<3200xf32, #tpu.memory_space<hbm>>) dst(%dma_wait3A_252 : memref<3200xf32, #tpu.memory_space<vmem>>)
        %add3A_254 = arith.constant 9600 : i32
        %add3A_255 = arith.addi %multiple_of3A_229, %add3A_254 : i32
        %dma_wait3A_256 = arith.constant 9600 : i32
        %dma_wait3A_257 = tpu.memref_slice %arg5[%dma_wait3A_256] : memref<25600xf32, #tpu.memory_space<vmem>> -> memref<3200xf32, #tpu.memory_space<vmem>>
        %dma_wait3A_258 = tpu.memref_slice %arg2[%add3A_255] : memref<16000000xf32, #tpu.memory_space<hbm>> -> memref<3200xf32, #tpu.memory_space<hbm>>
        %dma_wait3A_259 = arith.constant 9600 : i32
        %dma_wait3A_260 = tpu.memref_slice %arg5[%dma_wait3A_259] : memref<25600xf32, #tpu.memory_space<vmem>> -> memref<3200xf32, #tpu.memory_space<vmem>>
        %dma_wait3A_261 = tpu.memref_slice %arg2[%add3A_255] : memref<16000000xf32, #tpu.memory_space<hbm>> -> memref<3200xf32, #tpu.memory_space<hbm>>
        tpu.wait_dma2 semaphore(%arg10 : memref<!tpu.dma_semaphore, #tpu.memory_space<semaphore_mem>>) src(%dma_wait3A_261 : memref<3200xf32, #tpu.memory_space<hbm>>) dst(%dma_wait3A_260 : memref<3200xf32, #tpu.memory_space<vmem>>)
        %add3A_262 = arith.constant 12800 : i32
        %add3A_263 = arith.addi %multiple_of3A_229, %add3A_262 : i32
        %dma_wait3A_264 = arith.constant 12800 : i32
        %dma_wait3A_265 = tpu.memref_slice %arg5[%dma_wait3A_264] : memref<25600xf32, #tpu.memory_space<vmem>> -> memref<3200xf32, #tpu.memory_space<vmem>>
        %dma_wait3A_266 = tpu.memref_slice %arg2[%add3A_263] : memref<16000000xf32, #tpu.memory_space<hbm>> -> memref<3200xf32, #tpu.memory_space<hbm>>
        %dma_wait3A_267 = arith.constant 12800 : i32
        %dma_wait3A_268 = tpu.memref_slice %arg5[%dma_wait3A_267] : memref<25600xf32, #tpu.memory_space<vmem>> -> memref<3200xf32, #tpu.memory_space<vmem>>
        %dma_wait3A_269 = tpu.memref_slice %arg2[%add3A_263] : memref<16000000xf32, #tpu.memory_space<hbm>> -> memref<3200xf32, #tpu.memory_space<hbm>>
        tpu.wait_dma2 semaphore(%arg10 : memref<!tpu.dma_semaphore, #tpu.memory_space<semaphore_mem>>) src(%dma_wait3A_269 : memref<3200xf32, #tpu.memory_space<hbm>>) dst(%dma_wait3A_268 : memref<3200xf32, #tpu.memory_space<vmem>>)
        %add3A_270 = arith.constant 16000 : i32
        %add3A_271 = arith.addi %multiple_of3A_229, %add3A_270 : i32
        %dma_wait3A_272 = arith.constant 16000 : i32
        %dma_wait3A_273 = tpu.memref_slice %arg5[%dma_wait3A_272] : memref<25600xf32, #tpu.memory_space<vmem>> -> memref<3200xf32, #tpu.memory_space<vmem>>
        %dma_wait3A_274 = tpu.memref_slice %arg2[%add3A_271] : memref<16000000xf32, #tpu.memory_space<hbm>> -> memref<3200xf32, #tpu.memory_space<hbm>>
        %dma_wait3A_275 = arith.constant 16000 : i32
        %dma_wait3A_276 = tpu.memref_slice %arg5[%dma_wait3A_275] : memref<25600xf32, #tpu.memory_space<vmem>> -> memref<3200xf32, #tpu.memory_space<vmem>>
        %dma_wait3A_277 = tpu.memref_slice %arg2[%add3A_271] : memref<16000000xf32, #tpu.memory_space<hbm>> -> memref<3200xf32, #tpu.memory_space<hbm>>
        tpu.wait_dma2 semaphore(%arg10 : memref<!tpu.dma_semaphore, #tpu.memory_space<semaphore_mem>>) src(%dma_wait3A_277 : memref<3200xf32, #tpu.memory_space<hbm>>) dst(%dma_wait3A_276 : memref<3200xf32, #tpu.memory_space<vmem>>)
        %add3A_278 = arith.constant 19200 : i32
        %add3A_279 = arith.addi %multiple_of3A_229, %add3A_278 : i32
        %dma_wait3A_280 = arith.constant 19200 : i32
        %dma_wait3A_281 = tpu.memref_slice %arg5[%dma_wait3A_280] : memref<25600xf32, #tpu.memory_space<vmem>> -> memref<3200xf32, #tpu.memory_space<vmem>>
        %dma_wait3A_282 = tpu.memref_slice %arg2[%add3A_279] : memref<16000000xf32, #tpu.memory_space<hbm>> -> memref<3200xf32, #tpu.memory_space<hbm>>
        %dma_wait3A_283 = arith.constant 19200 : i32
        %dma_wait3A_284 = tpu.memref_slice %arg5[%dma_wait3A_283] : memref<25600xf32, #tpu.memory_space<vmem>> -> memref<3200xf32, #tpu.memory_space<vmem>>
        %dma_wait3A_285 = tpu.memref_slice %arg2[%add3A_279] : memref<16000000xf32, #tpu.memory_space<hbm>> -> memref<3200xf32, #tpu.memory_space<hbm>>
        tpu.wait_dma2 semaphore(%arg10 : memref<!tpu.dma_semaphore, #tpu.memory_space<semaphore_mem>>) src(%dma_wait3A_285 : memref<3200xf32, #tpu.memory_space<hbm>>) dst(%dma_wait3A_284 : memref<3200xf32, #tpu.memory_space<vmem>>)
        %add3A_286 = arith.constant 22400 : i32
        %add3A_287 = arith.addi %multiple_of3A_229, %add3A_286 : i32
        %dma_wait3A_288 = arith.constant 22400 : i32
        %dma_wait3A_289 = tpu.memref_slice %arg5[%dma_wait3A_288] : memref<25600xf32, #tpu.memory_space<vmem>> -> memref<3200xf32, #tpu.memory_space<vmem>>
        %dma_wait3A_290 = tpu.memref_slice %arg2[%add3A_287] : memref<16000000xf32, #tpu.memory_space<hbm>> -> memref<3200xf32, #tpu.memory_space<hbm>>
        %dma_wait3A_291 = arith.constant 22400 : i32
        %dma_wait3A_292 = tpu.memref_slice %arg5[%dma_wait3A_291] : memref<25600xf32, #tpu.memory_space<vmem>> -> memref<3200xf32, #tpu.memory_space<vmem>>
        %dma_wait3A_293 = tpu.memref_slice %arg2[%add3A_287] : memref<16000000xf32, #tpu.memory_space<hbm>> -> memref<3200xf32, #tpu.memory_space<hbm>>
        tpu.wait_dma2 semaphore(%arg10 : memref<!tpu.dma_semaphore, #tpu.memory_space<semaphore_mem>>) src(%dma_wait3A_293 : memref<3200xf32, #tpu.memory_space<hbm>>) dst(%dma_wait3A_292 : memref<3200xf32, #tpu.memory_space<vmem>>)
        %add3A_294 = arith.constant 32 : i32
        %add3A_295 = arith.addi %add3A_214, %add3A_294 : i32
        %lt3A_296 = arith.constant 625 : i32
        %lt3A_297 = arith.cmpi slt, %add3A_295, %lt3A_296 : i32
        %convert_element_type3A_298 = arith.extui %lt3A_297 : i1 to i32
        %cond3A_299 = arith.constant 0 : i32
        %cond3A_300 = arith.cmpi ne, %convert_element_type3A_298, %cond3A_299 : i32
        scf.if %cond3A_300 {
          %add3A_320 = arith.constant 32 : i32
          %add3A_321 = arith.addi %add3A_214, %add3A_320 : i32
          %mul3A_322 = arith.constant 25600 : i32
          %mul3A_323 = arith.muli %add3A_321, %mul3A_322 : i32
          %multiple_of3A_324 = tpu.assume_multiple %mul3A_323, 25600 : i32
          %add3A_325 = arith.constant 0 : i32
          %add3A_326 = arith.addi %multiple_of3A_324, %add3A_325 : i32
          %dma_start3A_327 = arith.constant 0 : i32
          %dma_start3A_328 = tpu.memref_slice %arg6[%dma_start3A_327] : memref<25600xf32, #tpu.memory_space<vmem>> -> memref<3200xf32, #tpu.memory_space<vmem>>
          %dma_start3A_329 = tpu.memref_slice %arg2[%add3A_326] : memref<16000000xf32, #tpu.memory_space<hbm>> -> memref<3200xf32, #tpu.memory_space<hbm>>
          %dma_start3A_330 = arith.constant 0 : i32
          %dma_start3A_331 = tpu.memref_slice %arg6[%dma_start3A_330] : memref<25600xf32, #tpu.memory_space<vmem>> -> memref<3200xf32, #tpu.memory_space<vmem>>
          %dma_start3A_332 = tpu.memref_slice %arg2[%add3A_326] : memref<16000000xf32, #tpu.memory_space<hbm>> -> memref<3200xf32, #tpu.memory_space<hbm>>
          tpu.enqueue_dma source(%dma_start3A_332 : memref<3200xf32, #tpu.memory_space<hbm>>) target(%dma_start3A_331 : memref<3200xf32, #tpu.memory_space<vmem>>) target_semaphore(%arg11 : memref<!tpu.dma_semaphore, #tpu.memory_space<semaphore_mem>>)
          %add3A_333 = arith.constant 3200 : i32
          %add3A_334 = arith.addi %multiple_of3A_324, %add3A_333 : i32
          %dma_start3A_335 = arith.constant 3200 : i32
          %dma_start3A_336 = tpu.memref_slice %arg6[%dma_start3A_335] : memref<25600xf32, #tpu.memory_space<vmem>> -> memref<3200xf32, #tpu.memory_space<vmem>>
          %dma_start3A_337 = tpu.memref_slice %arg2[%add3A_334] : memref<16000000xf32, #tpu.memory_space<hbm>> -> memref<3200xf32, #tpu.memory_space<hbm>>
          %dma_start3A_338 = arith.constant 3200 : i32
          %dma_start3A_339 = tpu.memref_slice %arg6[%dma_start3A_338] : memref<25600xf32, #tpu.memory_space<vmem>> -> memref<3200xf32, #tpu.memory_space<vmem>>
          %dma_start3A_340 = tpu.memref_slice %arg2[%add3A_334] : memref<16000000xf32, #tpu.memory_space<hbm>> -> memref<3200xf32, #tpu.memory_space<hbm>>
          tpu.enqueue_dma source(%dma_start3A_340 : memref<3200xf32, #tpu.memory_space<hbm>>) target(%dma_start3A_339 : memref<3200xf32, #tpu.memory_space<vmem>>) target_semaphore(%arg11 : memref<!tpu.dma_semaphore, #tpu.memory_space<semaphore_mem>>)
          %add3A_341 = arith.constant 6400 : i32
          %add3A_342 = arith.addi %multiple_of3A_324, %add3A_341 : i32
          %dma_start3A_343 = arith.constant 6400 : i32
          %dma_start3A_344 = tpu.memref_slice %arg6[%dma_start3A_343] : memref<25600xf32, #tpu.memory_space<vmem>> -> memref<3200xf32, #tpu.memory_space<vmem>>
          %dma_start3A_345 = tpu.memref_slice %arg2[%add3A_342] : memref<16000000xf32, #tpu.memory_space<hbm>> -> memref<3200xf32, #tpu.memory_space<hbm>>
          %dma_start3A_346 = arith.constant 6400 : i32
          %dma_start3A_347 = tpu.memref_slice %arg6[%dma_start3A_346] : memref<25600xf32, #tpu.memory_space<vmem>> -> memref<3200xf32, #tpu.memory_space<vmem>>
          %dma_start3A_348 = tpu.memref_slice %arg2[%add3A_342] : memref<16000000xf32, #tpu.memory_space<hbm>> -> memref<3200xf32, #tpu.memory_space<hbm>>
          tpu.enqueue_dma source(%dma_start3A_348 : memref<3200xf32, #tpu.memory_space<hbm>>) target(%dma_start3A_347 : memref<3200xf32, #tpu.memory_space<vmem>>) target_semaphore(%arg11 : memref<!tpu.dma_semaphore, #tpu.memory_space<semaphore_mem>>)
          %add3A_349 = arith.constant 9600 : i32
          %add3A_350 = arith.addi %multiple_of3A_324, %add3A_349 : i32
          %dma_start3A_351 = arith.constant 9600 : i32
          %dma_start3A_352 = tpu.memref_slice %arg6[%dma_start3A_351] : memref<25600xf32, #tpu.memory_space<vmem>> -> memref<3200xf32, #tpu.memory_space<vmem>>
          %dma_start3A_353 = tpu.memref_slice %arg2[%add3A_350] : memref<16000000xf32, #tpu.memory_space<hbm>> -> memref<3200xf32, #tpu.memory_space<hbm>>
          %dma_start3A_354 = arith.constant 9600 : i32
          %dma_start3A_355 = tpu.memref_slice %arg6[%dma_start3A_354] : memref<25600xf32, #tpu.memory_space<vmem>> -> memref<3200xf32, #tpu.memory_space<vmem>>
          %dma_start3A_356 = tpu.memref_slice %arg2[%add3A_350] : memref<16000000xf32, #tpu.memory_space<hbm>> -> memref<3200xf32, #tpu.memory_space<hbm>>
          tpu.enqueue_dma source(%dma_start3A_356 : memref<3200xf32, #tpu.memory_space<hbm>>) target(%dma_start3A_355 : memref<3200xf32, #tpu.memory_space<vmem>>) target_semaphore(%arg11 : memref<!tpu.dma_semaphore, #tpu.memory_space<semaphore_mem>>)
          %add3A_357 = arith.constant 12800 : i32
          %add3A_358 = arith.addi %multiple_of3A_324, %add3A_357 : i32
          %dma_start3A_359 = arith.constant 12800 : i32
          %dma_start3A_360 = tpu.memref_slice %arg6[%dma_start3A_359] : memref<25600xf32, #tpu.memory_space<vmem>> -> memref<3200xf32, #tpu.memory_space<vmem>>
          %dma_start3A_361 = tpu.memref_slice %arg2[%add3A_358] : memref<16000000xf32, #tpu.memory_space<hbm>> -> memref<3200xf32, #tpu.memory_space<hbm>>
          %dma_start3A_362 = arith.constant 12800 : i32
          %dma_start3A_363 = tpu.memref_slice %arg6[%dma_start3A_362] : memref<25600xf32, #tpu.memory_space<vmem>> -> memref<3200xf32, #tpu.memory_space<vmem>>
          %dma_start3A_364 = tpu.memref_slice %arg2[%add3A_358] : memref<16000000xf32, #tpu.memory_space<hbm>> -> memref<3200xf32, #tpu.memory_space<hbm>>
          tpu.enqueue_dma source(%dma_start3A_364 : memref<3200xf32, #tpu.memory_space<hbm>>) target(%dma_start3A_363 : memref<3200xf32, #tpu.memory_space<vmem>>) target_semaphore(%arg11 : memref<!tpu.dma_semaphore, #tpu.memory_space<semaphore_mem>>)
          %add3A_365 = arith.constant 16000 : i32
          %add3A_366 = arith.addi %multiple_of3A_324, %add3A_365 : i32
          %dma_start3A_367 = arith.constant 16000 : i32
          %dma_start3A_368 = tpu.memref_slice %arg6[%dma_start3A_367] : memref<25600xf32, #tpu.memory_space<vmem>> -> memref<3200xf32, #tpu.memory_space<vmem>>
          %dma_start3A_369 = tpu.memref_slice %arg2[%add3A_366] : memref<16000000xf32, #tpu.memory_space<hbm>> -> memref<3200xf32, #tpu.memory_space<hbm>>
          %dma_start3A_370 = arith.constant 16000 : i32
          %dma_start3A_371 = tpu.memref_slice %arg6[%dma_start3A_370] : memref<25600xf32, #tpu.memory_space<vmem>> -> memref<3200xf32, #tpu.memory_space<vmem>>
          %dma_start3A_372 = tpu.memref_slice %arg2[%add3A_366] : memref<16000000xf32, #tpu.memory_space<hbm>> -> memref<3200xf32, #tpu.memory_space<hbm>>
          tpu.enqueue_dma source(%dma_start3A_372 : memref<3200xf32, #tpu.memory_space<hbm>>) target(%dma_start3A_371 : memref<3200xf32, #tpu.memory_space<vmem>>) target_semaphore(%arg11 : memref<!tpu.dma_semaphore, #tpu.memory_space<semaphore_mem>>)
          %add3A_373 = arith.constant 19200 : i32
          %add3A_374 = arith.addi %multiple_of3A_324, %add3A_373 : i32
          %dma_start3A_375 = arith.constant 19200 : i32
          %dma_start3A_376 = tpu.memref_slice %arg6[%dma_start3A_375] : memref<25600xf32, #tpu.memory_space<vmem>> -> memref<3200xf32, #tpu.memory_space<vmem>>
          %dma_start3A_377 = tpu.memref_slice %arg2[%add3A_374] : memref<16000000xf32, #tpu.memory_space<hbm>> -> memref<3200xf32, #tpu.memory_space<hbm>>
          %dma_start3A_378 = arith.constant 19200 : i32
          %dma_start3A_379 = tpu.memref_slice %arg6[%dma_start3A_378] : memref<25600xf32, #tpu.memory_space<vmem>> -> memref<3200xf32, #tpu.memory_space<vmem>>
          %dma_start3A_380 = tpu.memref_slice %arg2[%add3A_374] : memref<16000000xf32, #tpu.memory_space<hbm>> -> memref<3200xf32, #tpu.memory_space<hbm>>
          tpu.enqueue_dma source(%dma_start3A_380 : memref<3200xf32, #tpu.memory_space<hbm>>) target(%dma_start3A_379 : memref<3200xf32, #tpu.memory_space<vmem>>) target_semaphore(%arg11 : memref<!tpu.dma_semaphore, #tpu.memory_space<semaphore_mem>>)
          %add3A_381 = arith.constant 22400 : i32
          %add3A_382 = arith.addi %multiple_of3A_324, %add3A_381 : i32
          %dma_start3A_383 = arith.constant 22400 : i32
          %dma_start3A_384 = tpu.memref_slice %arg6[%dma_start3A_383] : memref<25600xf32, #tpu.memory_space<vmem>> -> memref<3200xf32, #tpu.memory_space<vmem>>
          %dma_start3A_385 = tpu.memref_slice %arg2[%add3A_382] : memref<16000000xf32, #tpu.memory_space<hbm>> -> memref<3200xf32, #tpu.memory_space<hbm>>
          %dma_start3A_386 = arith.constant 22400 : i32
          %dma_start3A_387 = tpu.memref_slice %arg6[%dma_start3A_386] : memref<25600xf32, #tpu.memory_space<vmem>> -> memref<3200xf32, #tpu.memory_space<vmem>>
          %dma_start3A_388 = tpu.memref_slice %arg2[%add3A_382] : memref<16000000xf32, #tpu.memory_space<hbm>> -> memref<3200xf32, #tpu.memory_space<hbm>>
          tpu.enqueue_dma source(%dma_start3A_388 : memref<3200xf32, #tpu.memory_space<hbm>>) target(%dma_start3A_387 : memref<3200xf32, #tpu.memory_space<vmem>>) target_semaphore(%arg11 : memref<!tpu.dma_semaphore, #tpu.memory_space<semaphore_mem>>)
        } else {
        }
        %mul3A_301 = arith.constant 2 : i32
        %mul3A_302 = arith.muli %mul3A_301, %scan3A_209 : i32
        %add3A_303 = arith.constant 0 : i32
        %add3A_304 = arith.addi %mul3A_302, %add3A_303 : i32
        %ge3A = arith.constant 2 : i32
        %ge3A_305 = arith.cmpi sge, %add3A_304, %ge3A : i32
        %convert_element_type3A_306 = arith.extui %ge3A_305 : i1 to i32
        %cond3A_307 = arith.constant 0 : i32
        %cond3A_308 = arith.cmpi ne, %convert_element_type3A_306, %cond3A_307 : i32
        scf.if %cond3A_308 {
          %sub3A = arith.constant 64 : i32
          %sub3A_320 = arith.subi %add3A_214, %sub3A : i32
          %mul3A_321 = arith.constant 1600 : i32
          %mul3A_322 = arith.muli %sub3A_320, %mul3A_321 : i32
          %multiple_of3A_323 = tpu.assume_multiple %mul3A_322, 1600 : i32
          %dma_wait3A_324 = tpu.memref_slice %arg4[%multiple_of3A_323] : memref<1000000xf32, #tpu.memory_space<hbm>> -> memref<1600xf32, #tpu.memory_space<hbm>>
          %dma_wait3A_325 = tpu.memref_slice %arg4[%multiple_of3A_323] : memref<1000000xf32, #tpu.memory_space<hbm>> -> memref<1600xf32, #tpu.memory_space<hbm>>
          tpu.wait_dma2 semaphore(%arg12 : memref<!tpu.dma_semaphore, #tpu.memory_space<semaphore_mem>>) src(%arg7 : memref<1600xf32, #tpu.memory_space<vmem>>) dst(%dma_wait3A_325 : memref<1600xf32, #tpu.memory_space<hbm>>)
        } else {
        }
        %scan3A_309 = arith.constant 0 : i32
        %scan3A_310 = arith.constant 0 : i32
        %scan3A_311 = arith.constant 100 : i32
        %scan3A_312 = arith.addi %scan3A_310, %scan3A_311 : i32
        %scan3A_313 = arith.constant 1 : i32
        scf.for %scan3A_320 = %scan3A_310 to %scan3A_312 step %scan3A_313  : i32 {
          %mul3A_321 = arith.constant 256 : i32
          %mul3A_322 = arith.muli %scan3A_320, %mul3A_321 : i32
          %add3A_323 = vector.broadcast %mul3A_322 : i32 to vector<16xi32>
          %add3A_324 = arith.addi %add3A_39, %add3A_323 : vector<16xi32>
          %add3A_325 = vector.broadcast %mul3A_322 : i32 to vector<16xi32>
          %add3A_326 = arith.addi %add3A_45, %add3A_325 : vector<16xi32>
          %add3A_327 = vector.broadcast %mul3A_322 : i32 to vector<16xi32>
          %add3A_328 = arith.addi %add3A_51, %add3A_327 : vector<16xi32>
          %add3A_329 = vector.broadcast %mul3A_322 : i32 to vector<16xi32>
          %add3A_330 = arith.addi %add3A_57, %add3A_329 : vector<16xi32>
          %add3A_331 = vector.broadcast %mul3A_322 : i32 to vector<16xi32>
          %add3A_332 = arith.addi %add3A_63, %add3A_331 : vector<16xi32>
          %add3A_333 = vector.broadcast %mul3A_322 : i32 to vector<16xi32>
          %add3A_334 = arith.addi %add3A_69, %add3A_333 : vector<16xi32>
          %add3A_335 = vector.broadcast %mul3A_322 : i32 to vector<16xi32>
          %add3A_336 = arith.addi %add3A_75, %add3A_335 : vector<16xi32>
          %add3A_337 = vector.broadcast %mul3A_322 : i32 to vector<16xi32>
          %add3A_338 = arith.addi %add3A_81, %add3A_337 : vector<16xi32>
          %add3A_339 = vector.broadcast %mul3A_322 : i32 to vector<16xi32>
          %add3A_340 = arith.addi %add3A_87, %add3A_339 : vector<16xi32>
          %add3A_341 = vector.broadcast %mul3A_322 : i32 to vector<16xi32>
          %add3A_342 = arith.addi %add3A_93, %add3A_341 : vector<16xi32>
          %add3A_343 = vector.broadcast %mul3A_322 : i32 to vector<16xi32>
          %add3A_344 = arith.addi %add3A_99, %add3A_343 : vector<16xi32>
          %add3A_345 = vector.broadcast %mul3A_322 : i32 to vector<16xi32>
          %add3A_346 = arith.addi %add3A_105, %add3A_345 : vector<16xi32>
          %add3A_347 = vector.broadcast %mul3A_322 : i32 to vector<16xi32>
          %add3A_348 = arith.addi %add3A_111, %add3A_347 : vector<16xi32>
          %add3A_349 = vector.broadcast %mul3A_322 : i32 to vector<16xi32>
          %add3A_350 = arith.addi %add3A_117, %add3A_349 : vector<16xi32>
          %add3A_351 = vector.broadcast %mul3A_322 : i32 to vector<16xi32>
          %add3A_352 = arith.addi %add3A_123, %add3A_351 : vector<16xi32>
          %add3A_353 = vector.broadcast %mul3A_322 : i32 to vector<16xi32>
          %add3A_354 = arith.addi %add3A_129, %add3A_353 : vector<16xi32>
          %gather3A = tpu.vector_load_idx %arg5[%add3A_324] : memref<25600xf32, #tpu.memory_space<vmem>>[vector<16xi32>], vector<16xf32>,
          %mul3A_355 = vector.broadcast %squeeze3A : f32 to vector<16xf32>
          %mul3A_356 = arith.mulf %mul3A_355, %gather3A : vector<16xf32>
          %gather3A_357 = tpu.vector_load_idx %arg5[%add3A_326] : memref<25600xf32, #tpu.memory_space<vmem>>[vector<16xi32>], vector<16xf32>,
          %mul3A_358 = vector.broadcast %squeeze3A_5 : f32 to vector<16xf32>
          %mul3A_359 = arith.mulf %mul3A_358, %gather3A_357 : vector<16xf32>
          %gather3A_360 = tpu.vector_load_idx %arg5[%add3A_328] : memref<25600xf32, #tpu.memory_space<vmem>>[vector<16xi32>], vector<16xf32>,
          %mul3A_361 = vector.broadcast %squeeze3A_7 : f32 to vector<16xf32>
          %mul3A_362 = arith.mulf %mul3A_361, %gather3A_360 : vector<16xf32>
          %gather3A_363 = tpu.vector_load_idx %arg5[%add3A_330] : memref<25600xf32, #tpu.memory_space<vmem>>[vector<16xi32>], vector<16xf32>,
          %mul3A_364 = vector.broadcast %squeeze3A_9 : f32 to vector<16xf32>
          %mul3A_365 = arith.mulf %mul3A_364, %gather3A_363 : vector<16xf32>
          %gather3A_366 = tpu.vector_load_idx %arg5[%add3A_332] : memref<25600xf32, #tpu.memory_space<vmem>>[vector<16xi32>], vector<16xf32>,
          %mul3A_367 = vector.broadcast %squeeze3A_11 : f32 to vector<16xf32>
          %mul3A_368 = arith.mulf %mul3A_367, %gather3A_366 : vector<16xf32>
          %add3A_369 = arith.addf %mul3A_356, %mul3A_368 : vector<16xf32>
          %gather3A_370 = tpu.vector_load_idx %arg5[%add3A_334] : memref<25600xf32, #tpu.memory_space<vmem>>[vector<16xi32>], vector<16xf32>,
          %mul3A_371 = vector.broadcast %squeeze3A_13 : f32 to vector<16xf32>
          %mul3A_372 = arith.mulf %mul3A_371, %gather3A_370 : vector<16xf32>
          %add3A_373 = arith.addf %mul3A_359, %mul3A_372 : vector<16xf32>
          %gather3A_374 = tpu.vector_load_idx %arg5[%add3A_336] : memref<25600xf32, #tpu.memory_space<vmem>>[vector<16xi32>], vector<16xf32>,
          %mul3A_375 = vector.broadcast %squeeze3A_15 : f32 to vector<16xf32>
          %mul3A_376 = arith.mulf %mul3A_375, %gather3A_374 : vector<16xf32>
          %add3A_377 = arith.addf %mul3A_362, %mul3A_376 : vector<16xf32>
          %gather3A_378 = tpu.vector_load_idx %arg5[%add3A_338] : memref<25600xf32, #tpu.memory_space<vmem>>[vector<16xi32>], vector<16xf32>,
          %mul3A_379 = vector.broadcast %squeeze3A_17 : f32 to vector<16xf32>
          %mul3A_380 = arith.mulf %mul3A_379, %gather3A_378 : vector<16xf32>
          %add3A_381 = arith.addf %mul3A_365, %mul3A_380 : vector<16xf32>
          %gather3A_382 = tpu.vector_load_idx %arg5[%add3A_340] : memref<25600xf32, #tpu.memory_space<vmem>>[vector<16xi32>], vector<16xf32>,
          %mul3A_383 = vector.broadcast %squeeze3A_19 : f32 to vector<16xf32>
          %mul3A_384 = arith.mulf %mul3A_383, %gather3A_382 : vector<16xf32>
          %add3A_385 = arith.addf %add3A_369, %mul3A_384 : vector<16xf32>
          %gather3A_386 = tpu.vector_load_idx %arg5[%add3A_342] : memref<25600xf32, #tpu.memory_space<vmem>>[vector<16xi32>], vector<16xf32>,
          %mul3A_387 = vector.broadcast %squeeze3A_21 : f32 to vector<16xf32>
          %mul3A_388 = arith.mulf %mul3A_387, %gather3A_386 : vector<16xf32>
          %add3A_389 = arith.addf %add3A_373, %mul3A_388 : vector<16xf32>
          %gather3A_390 = tpu.vector_load_idx %arg5[%add3A_344] : memref<25600xf32, #tpu.memory_space<vmem>>[vector<16xi32>], vector<16xf32>,
          %mul3A_391 = vector.broadcast %squeeze3A_23 : f32 to vector<16xf32>
          %mul3A_392 = arith.mulf %mul3A_391, %gather3A_390 : vector<16xf32>
          %add3A_393 = arith.addf %add3A_377, %mul3A_392 : vector<16xf32>
          %gather3A_394 = tpu.vector_load_idx %arg5[%add3A_346] : memref<25600xf32, #tpu.memory_space<vmem>>[vector<16xi32>], vector<16xf32>,
          %mul3A_395 = vector.broadcast %squeeze3A_25 : f32 to vector<16xf32>
          %mul3A_396 = arith.mulf %mul3A_395, %gather3A_394 : vector<16xf32>
          %add3A_397 = arith.addf %add3A_381, %mul3A_396 : vector<16xf32>
          %gather3A_398 = tpu.vector_load_idx %arg5[%add3A_348] : memref<25600xf32, #tpu.memory_space<vmem>>[vector<16xi32>], vector<16xf32>,
          %mul3A_399 = vector.broadcast %squeeze3A_27 : f32 to vector<16xf32>
          %mul3A_400 = arith.mulf %mul3A_399, %gather3A_398 : vector<16xf32>
          %add3A_401 = arith.addf %add3A_385, %mul3A_400 : vector<16xf32>
          %gather3A_402 = tpu.vector_load_idx %arg5[%add3A_350] : memref<25600xf32, #tpu.memory_space<vmem>>[vector<16xi32>], vector<16xf32>,
          %mul3A_403 = vector.broadcast %squeeze3A_29 : f32 to vector<16xf32>
          %mul3A_404 = arith.mulf %mul3A_403, %gather3A_402 : vector<16xf32>
          %add3A_405 = arith.addf %add3A_389, %mul3A_404 : vector<16xf32>
          %gather3A_406 = tpu.vector_load_idx %arg5[%add3A_352] : memref<25600xf32, #tpu.memory_space<vmem>>[vector<16xi32>], vector<16xf32>,
          %mul3A_407 = vector.broadcast %squeeze3A_31 : f32 to vector<16xf32>
          %mul3A_408 = arith.mulf %mul3A_407, %gather3A_406 : vector<16xf32>
          %add3A_409 = arith.addf %add3A_393, %mul3A_408 : vector<16xf32>
          %gather3A_410 = tpu.vector_load_idx %arg5[%add3A_354] : memref<25600xf32, #tpu.memory_space<vmem>>[vector<16xi32>], vector<16xf32>,
          %mul3A_411 = vector.broadcast %squeeze3A_33 : f32 to vector<16xf32>
          %mul3A_412 = arith.mulf %mul3A_411, %gather3A_410 : vector<16xf32>
          %add3A_413 = arith.addf %add3A_397, %mul3A_412 : vector<16xf32>
          %add3A_414 = arith.addf %add3A_401, %add3A_405 : vector<16xf32>
          %add3A_415 = arith.addf %add3A_409, %add3A_413 : vector<16xf32>
          %add3A_416 = arith.addf %add3A_414, %add3A_415 : vector<16xf32>
          %mul3A_417 = arith.constant 16 : i32
          %mul3A_418 = arith.muli %scan3A_320, %mul3A_417 : i32
          %swap3A = arith.index_cast %mul3A_418 : i32 to index
          %swap3A_419 = tpu.vector_load %arg7[%swap3A] {strides = array<i32>} : memref<1600xf32, #tpu.memory_space<vmem>>, vector<16xf32>,
          tpu.vector_store %arg7[%swap3A], %add3A_416 {strides = array<i32>} : memref<1600xf32, #tpu.memory_space<vmem>>, vector<16xf32>,
        }
        %scan3A_314 = arith.constant 100 : i32
        %mul3A_315 = arith.constant 1600 : i32
        %mul3A_316 = arith.muli %add3A_214, %mul3A_315 : i32
        %multiple_of3A_317 = tpu.assume_multiple %mul3A_316, 1600 : i32
        %dma_start3A_318 = tpu.memref_slice %arg4[%multiple_of3A_317] : memref<1000000xf32, #tpu.memory_space<hbm>> -> memref<1600xf32, #tpu.memory_space<hbm>>
        %dma_start3A_319 = tpu.memref_slice %arg4[%multiple_of3A_317] : memref<1000000xf32, #tpu.memory_space<hbm>> -> memref<1600xf32, #tpu.memory_space<hbm>>
        tpu.enqueue_dma source(%arg7 : memref<1600xf32, #tpu.memory_space<vmem>>) target(%dma_start3A_319 : memref<1600xf32, #tpu.memory_space<hbm>>) target_semaphore(%arg12 : memref<!tpu.dma_semaphore, #tpu.memory_space<semaphore_mem>>)
      } else {
      }
      %mul3A_217 = arith.constant 64 : i32
      %mul3A_218 = arith.muli %mul3A_217, %scan3A_209 : i32
      %add3A_219 = arith.addi %add3A, %mul3A_218 : i32
      %add3A_220 = arith.constant 32 : i32
      %add3A_221 = arith.addi %add3A_219, %add3A_220 : i32
      %lt3A_222 = arith.constant 625 : i32
      %lt3A_223 = arith.cmpi slt, %add3A_221, %lt3A_222 : i32
      %convert_element_type3A_224 = arith.extui %lt3A_223 : i1 to i32
      %cond3A_225 = arith.constant 0 : i32
      %cond3A_226 = arith.cmpi ne, %convert_element_type3A_224, %cond3A_225 : i32
      scf.if %cond3A_226 {
        %mul3A_227 = arith.constant 25600 : i32
        %mul3A_228 = arith.muli %add3A_221, %mul3A_227 : i32
        %multiple_of3A_229 = tpu.assume_multiple %mul3A_228, 25600 : i32
        %add3A_230 = arith.constant 0 : i32
        %add3A_231 = arith.addi %multiple_of3A_229, %add3A_230 : i32
        %dma_wait3A_232 = arith.constant 0 : i32
        %dma_wait3A_233 = tpu.memref_slice %arg6[%dma_wait3A_232] : memref<25600xf32, #tpu.memory_space<vmem>> -> memref<3200xf32, #tpu.memory_space<vmem>>
        %dma_wait3A_234 = tpu.memref_slice %arg2[%add3A_231] : memref<16000000xf32, #tpu.memory_space<hbm>> -> memref<3200xf32, #tpu.memory_space<hbm>>
        %dma_wait3A_235 = arith.constant 0 : i32
        %dma_wait3A_236 = tpu.memref_slice %arg6[%dma_wait3A_235] : memref<25600xf32, #tpu.memory_space<vmem>> -> memref<3200xf32, #tpu.memory_space<vmem>>
        %dma_wait3A_237 = tpu.memref_slice %arg2[%add3A_231] : memref<16000000xf32, #tpu.memory_space<hbm>> -> memref<3200xf32, #tpu.memory_space<hbm>>
        tpu.wait_dma2 semaphore(%arg11 : memref<!tpu.dma_semaphore, #tpu.memory_space<semaphore_mem>>) src(%dma_wait3A_237 : memref<3200xf32, #tpu.memory_space<hbm>>) dst(%dma_wait3A_236 : memref<3200xf32, #tpu.memory_space<vmem>>)
        %add3A_238 = arith.constant 3200 : i32
        %add3A_239 = arith.addi %multiple_of3A_229, %add3A_238 : i32
        %dma_wait3A_240 = arith.constant 3200 : i32
        %dma_wait3A_241 = tpu.memref_slice %arg6[%dma_wait3A_240] : memref<25600xf32, #tpu.memory_space<vmem>> -> memref<3200xf32, #tpu.memory_space<vmem>>
        %dma_wait3A_242 = tpu.memref_slice %arg2[%add3A_239] : memref<16000000xf32, #tpu.memory_space<hbm>> -> memref<3200xf32, #tpu.memory_space<hbm>>
        %dma_wait3A_243 = arith.constant 3200 : i32
        %dma_wait3A_244 = tpu.memref_slice %arg6[%dma_wait3A_243] : memref<25600xf32, #tpu.memory_space<vmem>> -> memref<3200xf32, #tpu.memory_space<vmem>>
        %dma_wait3A_245 = tpu.memref_slice %arg2[%add3A_239] : memref<16000000xf32, #tpu.memory_space<hbm>> -> memref<3200xf32, #tpu.memory_space<hbm>>
        tpu.wait_dma2 semaphore(%arg11 : memref<!tpu.dma_semaphore, #tpu.memory_space<semaphore_mem>>) src(%dma_wait3A_245 : memref<3200xf32, #tpu.memory_space<hbm>>) dst(%dma_wait3A_244 : memref<3200xf32, #tpu.memory_space<vmem>>)
        %add3A_246 = arith.constant 6400 : i32
        %add3A_247 = arith.addi %multiple_of3A_229, %add3A_246 : i32
        %dma_wait3A_248 = arith.constant 6400 : i32
        %dma_wait3A_249 = tpu.memref_slice %arg6[%dma_wait3A_248] : memref<25600xf32, #tpu.memory_space<vmem>> -> memref<3200xf32, #tpu.memory_space<vmem>>
        %dma_wait3A_250 = tpu.memref_slice %arg2[%add3A_247] : memref<16000000xf32, #tpu.memory_space<hbm>> -> memref<3200xf32, #tpu.memory_space<hbm>>
        %dma_wait3A_251 = arith.constant 6400 : i32
        %dma_wait3A_252 = tpu.memref_slice %arg6[%dma_wait3A_251] : memref<25600xf32, #tpu.memory_space<vmem>> -> memref<3200xf32, #tpu.memory_space<vmem>>
        %dma_wait3A_253 = tpu.memref_slice %arg2[%add3A_247] : memref<16000000xf32, #tpu.memory_space<hbm>> -> memref<3200xf32, #tpu.memory_space<hbm>>
        tpu.wait_dma2 semaphore(%arg11 : memref<!tpu.dma_semaphore, #tpu.memory_space<semaphore_mem>>) src(%dma_wait3A_253 : memref<3200xf32, #tpu.memory_space<hbm>>) dst(%dma_wait3A_252 : memref<3200xf32, #tpu.memory_space<vmem>>)
        %add3A_254 = arith.constant 9600 : i32
        %add3A_255 = arith.addi %multiple_of3A_229, %add3A_254 : i32
        %dma_wait3A_256 = arith.constant 9600 : i32
        %dma_wait3A_257 = tpu.memref_slice %arg6[%dma_wait3A_256] : memref<25600xf32, #tpu.memory_space<vmem>> -> memref<3200xf32, #tpu.memory_space<vmem>>
        %dma_wait3A_258 = tpu.memref_slice %arg2[%add3A_255] : memref<16000000xf32, #tpu.memory_space<hbm>> -> memref<3200xf32, #tpu.memory_space<hbm>>
        %dma_wait3A_259 = arith.constant 9600 : i32
        %dma_wait3A_260 = tpu.memref_slice %arg6[%dma_wait3A_259] : memref<25600xf32, #tpu.memory_space<vmem>> -> memref<3200xf32, #tpu.memory_space<vmem>>
        %dma_wait3A_261 = tpu.memref_slice %arg2[%add3A_255] : memref<16000000xf32, #tpu.memory_space<hbm>> -> memref<3200xf32, #tpu.memory_space<hbm>>
        tpu.wait_dma2 semaphore(%arg11 : memref<!tpu.dma_semaphore, #tpu.memory_space<semaphore_mem>>) src(%dma_wait3A_261 : memref<3200xf32, #tpu.memory_space<hbm>>) dst(%dma_wait3A_260 : memref<3200xf32, #tpu.memory_space<vmem>>)
        %add3A_262 = arith.constant 12800 : i32
        %add3A_263 = arith.addi %multiple_of3A_229, %add3A_262 : i32
        %dma_wait3A_264 = arith.constant 12800 : i32
        %dma_wait3A_265 = tpu.memref_slice %arg6[%dma_wait3A_264] : memref<25600xf32, #tpu.memory_space<vmem>> -> memref<3200xf32, #tpu.memory_space<vmem>>
        %dma_wait3A_266 = tpu.memref_slice %arg2[%add3A_263] : memref<16000000xf32, #tpu.memory_space<hbm>> -> memref<3200xf32, #tpu.memory_space<hbm>>
        %dma_wait3A_267 = arith.constant 12800 : i32
        %dma_wait3A_268 = tpu.memref_slice %arg6[%dma_wait3A_267] : memref<25600xf32, #tpu.memory_space<vmem>> -> memref<3200xf32, #tpu.memory_space<vmem>>
        %dma_wait3A_269 = tpu.memref_slice %arg2[%add3A_263] : memref<16000000xf32, #tpu.memory_space<hbm>> -> memref<3200xf32, #tpu.memory_space<hbm>>
        tpu.wait_dma2 semaphore(%arg11 : memref<!tpu.dma_semaphore, #tpu.memory_space<semaphore_mem>>) src(%dma_wait3A_269 : memref<3200xf32, #tpu.memory_space<hbm>>) dst(%dma_wait3A_268 : memref<3200xf32, #tpu.memory_space<vmem>>)
        %add3A_270 = arith.constant 16000 : i32
        %add3A_271 = arith.addi %multiple_of3A_229, %add3A_270 : i32
        %dma_wait3A_272 = arith.constant 16000 : i32
        %dma_wait3A_273 = tpu.memref_slice %arg6[%dma_wait3A_272] : memref<25600xf32, #tpu.memory_space<vmem>> -> memref<3200xf32, #tpu.memory_space<vmem>>
        %dma_wait3A_274 = tpu.memref_slice %arg2[%add3A_271] : memref<16000000xf32, #tpu.memory_space<hbm>> -> memref<3200xf32, #tpu.memory_space<hbm>>
        %dma_wait3A_275 = arith.constant 16000 : i32
        %dma_wait3A_276 = tpu.memref_slice %arg6[%dma_wait3A_275] : memref<25600xf32, #tpu.memory_space<vmem>> -> memref<3200xf32, #tpu.memory_space<vmem>>
        %dma_wait3A_277 = tpu.memref_slice %arg2[%add3A_271] : memref<16000000xf32, #tpu.memory_space<hbm>> -> memref<3200xf32, #tpu.memory_space<hbm>>
        tpu.wait_dma2 semaphore(%arg11 : memref<!tpu.dma_semaphore, #tpu.memory_space<semaphore_mem>>) src(%dma_wait3A_277 : memref<3200xf32, #tpu.memory_space<hbm>>) dst(%dma_wait3A_276 : memref<3200xf32, #tpu.memory_space<vmem>>)
        %add3A_278 = arith.constant 19200 : i32
        %add3A_279 = arith.addi %multiple_of3A_229, %add3A_278 : i32
        %dma_wait3A_280 = arith.constant 19200 : i32
        %dma_wait3A_281 = tpu.memref_slice %arg6[%dma_wait3A_280] : memref<25600xf32, #tpu.memory_space<vmem>> -> memref<3200xf32, #tpu.memory_space<vmem>>
        %dma_wait3A_282 = tpu.memref_slice %arg2[%add3A_279] : memref<16000000xf32, #tpu.memory_space<hbm>> -> memref<3200xf32, #tpu.memory_space<hbm>>
        %dma_wait3A_283 = arith.constant 19200 : i32
        %dma_wait3A_284 = tpu.memref_slice %arg6[%dma_wait3A_283] : memref<25600xf32, #tpu.memory_space<vmem>> -> memref<3200xf32, #tpu.memory_space<vmem>>
        %dma_wait3A_285 = tpu.memref_slice %arg2[%add3A_279] : memref<16000000xf32, #tpu.memory_space<hbm>> -> memref<3200xf32, #tpu.memory_space<hbm>>
        tpu.wait_dma2 semaphore(%arg11 : memref<!tpu.dma_semaphore, #tpu.memory_space<semaphore_mem>>) src(%dma_wait3A_285 : memref<3200xf32, #tpu.memory_space<hbm>>) dst(%dma_wait3A_284 : memref<3200xf32, #tpu.memory_space<vmem>>)
        %add3A_286 = arith.constant 22400 : i32
        %add3A_287 = arith.addi %multiple_of3A_229, %add3A_286 : i32
        %dma_wait3A_288 = arith.constant 22400 : i32
        %dma_wait3A_289 = tpu.memref_slice %arg6[%dma_wait3A_288] : memref<25600xf32, #tpu.memory_space<vmem>> -> memref<3200xf32, #tpu.memory_space<vmem>>
        %dma_wait3A_290 = tpu.memref_slice %arg2[%add3A_287] : memref<16000000xf32, #tpu.memory_space<hbm>> -> memref<3200xf32, #tpu.memory_space<hbm>>
        %dma_wait3A_291 = arith.constant 22400 : i32
        %dma_wait3A_292 = tpu.memref_slice %arg6[%dma_wait3A_291] : memref<25600xf32, #tpu.memory_space<vmem>> -> memref<3200xf32, #tpu.memory_space<vmem>>
        %dma_wait3A_293 = tpu.memref_slice %arg2[%add3A_287] : memref<16000000xf32, #tpu.memory_space<hbm>> -> memref<3200xf32, #tpu.memory_space<hbm>>
        tpu.wait_dma2 semaphore(%arg11 : memref<!tpu.dma_semaphore, #tpu.memory_space<semaphore_mem>>) src(%dma_wait3A_293 : memref<3200xf32, #tpu.memory_space<hbm>>) dst(%dma_wait3A_292 : memref<3200xf32, #tpu.memory_space<vmem>>)
        %add3A_294 = arith.constant 32 : i32
        %add3A_295 = arith.addi %add3A_221, %add3A_294 : i32
        %lt3A_296 = arith.constant 625 : i32
        %lt3A_297 = arith.cmpi slt, %add3A_295, %lt3A_296 : i32
        %convert_element_type3A_298 = arith.extui %lt3A_297 : i1 to i32
        %cond3A_299 = arith.constant 0 : i32
        %cond3A_300 = arith.cmpi ne, %convert_element_type3A_298, %cond3A_299 : i32
        scf.if %cond3A_300 {
          %add3A_320 = arith.constant 32 : i32
          %add3A_321 = arith.addi %add3A_221, %add3A_320 : i32
          %mul3A_322 = arith.constant 25600 : i32
          %mul3A_323 = arith.muli %add3A_321, %mul3A_322 : i32
          %multiple_of3A_324 = tpu.assume_multiple %mul3A_323, 25600 : i32
          %add3A_325 = arith.constant 0 : i32
          %add3A_326 = arith.addi %multiple_of3A_324, %add3A_325 : i32
          %dma_start3A_327 = arith.constant 0 : i32
          %dma_start3A_328 = tpu.memref_slice %arg5[%dma_start3A_327] : memref<25600xf32, #tpu.memory_space<vmem>> -> memref<3200xf32, #tpu.memory_space<vmem>>
          %dma_start3A_329 = tpu.memref_slice %arg2[%add3A_326] : memref<16000000xf32, #tpu.memory_space<hbm>> -> memref<3200xf32, #tpu.memory_space<hbm>>
          %dma_start3A_330 = arith.constant 0 : i32
          %dma_start3A_331 = tpu.memref_slice %arg5[%dma_start3A_330] : memref<25600xf32, #tpu.memory_space<vmem>> -> memref<3200xf32, #tpu.memory_space<vmem>>
          %dma_start3A_332 = tpu.memref_slice %arg2[%add3A_326] : memref<16000000xf32, #tpu.memory_space<hbm>> -> memref<3200xf32, #tpu.memory_space<hbm>>
          tpu.enqueue_dma source(%dma_start3A_332 : memref<3200xf32, #tpu.memory_space<hbm>>) target(%dma_start3A_331 : memref<3200xf32, #tpu.memory_space<vmem>>) target_semaphore(%arg10 : memref<!tpu.dma_semaphore, #tpu.memory_space<semaphore_mem>>)
          %add3A_333 = arith.constant 3200 : i32
          %add3A_334 = arith.addi %multiple_of3A_324, %add3A_333 : i32
          %dma_start3A_335 = arith.constant 3200 : i32
          %dma_start3A_336 = tpu.memref_slice %arg5[%dma_start3A_335] : memref<25600xf32, #tpu.memory_space<vmem>> -> memref<3200xf32, #tpu.memory_space<vmem>>
          %dma_start3A_337 = tpu.memref_slice %arg2[%add3A_334] : memref<16000000xf32, #tpu.memory_space<hbm>> -> memref<3200xf32, #tpu.memory_space<hbm>>
          %dma_start3A_338 = arith.constant 3200 : i32
          %dma_start3A_339 = tpu.memref_slice %arg5[%dma_start3A_338] : memref<25600xf32, #tpu.memory_space<vmem>> -> memref<3200xf32, #tpu.memory_space<vmem>>
          %dma_start3A_340 = tpu.memref_slice %arg2[%add3A_334] : memref<16000000xf32, #tpu.memory_space<hbm>> -> memref<3200xf32, #tpu.memory_space<hbm>>
          tpu.enqueue_dma source(%dma_start3A_340 : memref<3200xf32, #tpu.memory_space<hbm>>) target(%dma_start3A_339 : memref<3200xf32, #tpu.memory_space<vmem>>) target_semaphore(%arg10 : memref<!tpu.dma_semaphore, #tpu.memory_space<semaphore_mem>>)
          %add3A_341 = arith.constant 6400 : i32
          %add3A_342 = arith.addi %multiple_of3A_324, %add3A_341 : i32
          %dma_start3A_343 = arith.constant 6400 : i32
          %dma_start3A_344 = tpu.memref_slice %arg5[%dma_start3A_343] : memref<25600xf32, #tpu.memory_space<vmem>> -> memref<3200xf32, #tpu.memory_space<vmem>>
          %dma_start3A_345 = tpu.memref_slice %arg2[%add3A_342] : memref<16000000xf32, #tpu.memory_space<hbm>> -> memref<3200xf32, #tpu.memory_space<hbm>>
          %dma_start3A_346 = arith.constant 6400 : i32
          %dma_start3A_347 = tpu.memref_slice %arg5[%dma_start3A_346] : memref<25600xf32, #tpu.memory_space<vmem>> -> memref<3200xf32, #tpu.memory_space<vmem>>
          %dma_start3A_348 = tpu.memref_slice %arg2[%add3A_342] : memref<16000000xf32, #tpu.memory_space<hbm>> -> memref<3200xf32, #tpu.memory_space<hbm>>
          tpu.enqueue_dma source(%dma_start3A_348 : memref<3200xf32, #tpu.memory_space<hbm>>) target(%dma_start3A_347 : memref<3200xf32, #tpu.memory_space<vmem>>) target_semaphore(%arg10 : memref<!tpu.dma_semaphore, #tpu.memory_space<semaphore_mem>>)
          %add3A_349 = arith.constant 9600 : i32
          %add3A_350 = arith.addi %multiple_of3A_324, %add3A_349 : i32
          %dma_start3A_351 = arith.constant 9600 : i32
          %dma_start3A_352 = tpu.memref_slice %arg5[%dma_start3A_351] : memref<25600xf32, #tpu.memory_space<vmem>> -> memref<3200xf32, #tpu.memory_space<vmem>>
          %dma_start3A_353 = tpu.memref_slice %arg2[%add3A_350] : memref<16000000xf32, #tpu.memory_space<hbm>> -> memref<3200xf32, #tpu.memory_space<hbm>>
          %dma_start3A_354 = arith.constant 9600 : i32
          %dma_start3A_355 = tpu.memref_slice %arg5[%dma_start3A_354] : memref<25600xf32, #tpu.memory_space<vmem>> -> memref<3200xf32, #tpu.memory_space<vmem>>
          %dma_start3A_356 = tpu.memref_slice %arg2[%add3A_350] : memref<16000000xf32, #tpu.memory_space<hbm>> -> memref<3200xf32, #tpu.memory_space<hbm>>
          tpu.enqueue_dma source(%dma_start3A_356 : memref<3200xf32, #tpu.memory_space<hbm>>) target(%dma_start3A_355 : memref<3200xf32, #tpu.memory_space<vmem>>) target_semaphore(%arg10 : memref<!tpu.dma_semaphore, #tpu.memory_space<semaphore_mem>>)
          %add3A_357 = arith.constant 12800 : i32
          %add3A_358 = arith.addi %multiple_of3A_324, %add3A_357 : i32
          %dma_start3A_359 = arith.constant 12800 : i32
          %dma_start3A_360 = tpu.memref_slice %arg5[%dma_start3A_359] : memref<25600xf32, #tpu.memory_space<vmem>> -> memref<3200xf32, #tpu.memory_space<vmem>>
          %dma_start3A_361 = tpu.memref_slice %arg2[%add3A_358] : memref<16000000xf32, #tpu.memory_space<hbm>> -> memref<3200xf32, #tpu.memory_space<hbm>>
          %dma_start3A_362 = arith.constant 12800 : i32
          %dma_start3A_363 = tpu.memref_slice %arg5[%dma_start3A_362] : memref<25600xf32, #tpu.memory_space<vmem>> -> memref<3200xf32, #tpu.memory_space<vmem>>
          %dma_start3A_364 = tpu.memref_slice %arg2[%add3A_358] : memref<16000000xf32, #tpu.memory_space<hbm>> -> memref<3200xf32, #tpu.memory_space<hbm>>
          tpu.enqueue_dma source(%dma_start3A_364 : memref<3200xf32, #tpu.memory_space<hbm>>) target(%dma_start3A_363 : memref<3200xf32, #tpu.memory_space<vmem>>) target_semaphore(%arg10 : memref<!tpu.dma_semaphore, #tpu.memory_space<semaphore_mem>>)
          %add3A_365 = arith.constant 16000 : i32
          %add3A_366 = arith.addi %multiple_of3A_324, %add3A_365 : i32
          %dma_start3A_367 = arith.constant 16000 : i32
          %dma_start3A_368 = tpu.memref_slice %arg5[%dma_start3A_367] : memref<25600xf32, #tpu.memory_space<vmem>> -> memref<3200xf32, #tpu.memory_space<vmem>>
          %dma_start3A_369 = tpu.memref_slice %arg2[%add3A_366] : memref<16000000xf32, #tpu.memory_space<hbm>> -> memref<3200xf32, #tpu.memory_space<hbm>>
          %dma_start3A_370 = arith.constant 16000 : i32
          %dma_start3A_371 = tpu.memref_slice %arg5[%dma_start3A_370] : memref<25600xf32, #tpu.memory_space<vmem>> -> memref<3200xf32, #tpu.memory_space<vmem>>
          %dma_start3A_372 = tpu.memref_slice %arg2[%add3A_366] : memref<16000000xf32, #tpu.memory_space<hbm>> -> memref<3200xf32, #tpu.memory_space<hbm>>
          tpu.enqueue_dma source(%dma_start3A_372 : memref<3200xf32, #tpu.memory_space<hbm>>) target(%dma_start3A_371 : memref<3200xf32, #tpu.memory_space<vmem>>) target_semaphore(%arg10 : memref<!tpu.dma_semaphore, #tpu.memory_space<semaphore_mem>>)
          %add3A_373 = arith.constant 19200 : i32
          %add3A_374 = arith.addi %multiple_of3A_324, %add3A_373 : i32
          %dma_start3A_375 = arith.constant 19200 : i32
          %dma_start3A_376 = tpu.memref_slice %arg5[%dma_start3A_375] : memref<25600xf32, #tpu.memory_space<vmem>> -> memref<3200xf32, #tpu.memory_space<vmem>>
          %dma_start3A_377 = tpu.memref_slice %arg2[%add3A_374] : memref<16000000xf32, #tpu.memory_space<hbm>> -> memref<3200xf32, #tpu.memory_space<hbm>>
          %dma_start3A_378 = arith.constant 19200 : i32
          %dma_start3A_379 = tpu.memref_slice %arg5[%dma_start3A_378] : memref<25600xf32, #tpu.memory_space<vmem>> -> memref<3200xf32, #tpu.memory_space<vmem>>
          %dma_start3A_380 = tpu.memref_slice %arg2[%add3A_374] : memref<16000000xf32, #tpu.memory_space<hbm>> -> memref<3200xf32, #tpu.memory_space<hbm>>
          tpu.enqueue_dma source(%dma_start3A_380 : memref<3200xf32, #tpu.memory_space<hbm>>) target(%dma_start3A_379 : memref<3200xf32, #tpu.memory_space<vmem>>) target_semaphore(%arg10 : memref<!tpu.dma_semaphore, #tpu.memory_space<semaphore_mem>>)
          %add3A_381 = arith.constant 22400 : i32
          %add3A_382 = arith.addi %multiple_of3A_324, %add3A_381 : i32
          %dma_start3A_383 = arith.constant 22400 : i32
          %dma_start3A_384 = tpu.memref_slice %arg5[%dma_start3A_383] : memref<25600xf32, #tpu.memory_space<vmem>> -> memref<3200xf32, #tpu.memory_space<vmem>>
          %dma_start3A_385 = tpu.memref_slice %arg2[%add3A_382] : memref<16000000xf32, #tpu.memory_space<hbm>> -> memref<3200xf32, #tpu.memory_space<hbm>>
          %dma_start3A_386 = arith.constant 22400 : i32
          %dma_start3A_387 = tpu.memref_slice %arg5[%dma_start3A_386] : memref<25600xf32, #tpu.memory_space<vmem>> -> memref<3200xf32, #tpu.memory_space<vmem>>
          %dma_start3A_388 = tpu.memref_slice %arg2[%add3A_382] : memref<16000000xf32, #tpu.memory_space<hbm>> -> memref<3200xf32, #tpu.memory_space<hbm>>
          tpu.enqueue_dma source(%dma_start3A_388 : memref<3200xf32, #tpu.memory_space<hbm>>) target(%dma_start3A_387 : memref<3200xf32, #tpu.memory_space<vmem>>) target_semaphore(%arg10 : memref<!tpu.dma_semaphore, #tpu.memory_space<semaphore_mem>>)
        } else {
        }
        %mul3A_301 = arith.constant 2 : i32
        %mul3A_302 = arith.muli %mul3A_301, %scan3A_209 : i32
        %add3A_303 = arith.constant 1 : i32
        %add3A_304 = arith.addi %mul3A_302, %add3A_303 : i32
        %ge3A = arith.constant 2 : i32
        %ge3A_305 = arith.cmpi sge, %add3A_304, %ge3A : i32
        %convert_element_type3A_306 = arith.extui %ge3A_305 : i1 to i32
        %cond3A_307 = arith.constant 0 : i32
        %cond3A_308 = arith.cmpi ne, %convert_element_type3A_306, %cond3A_307 : i32
        scf.if %cond3A_308 {
          %sub3A = arith.constant 64 : i32
          %sub3A_320 = arith.subi %add3A_221, %sub3A : i32
          %mul3A_321 = arith.constant 1600 : i32
          %mul3A_322 = arith.muli %sub3A_320, %mul3A_321 : i32
          %multiple_of3A_323 = tpu.assume_multiple %mul3A_322, 1600 : i32
          %dma_wait3A_324 = tpu.memref_slice %arg4[%multiple_of3A_323] : memref<1000000xf32, #tpu.memory_space<hbm>> -> memref<1600xf32, #tpu.memory_space<hbm>>
          %dma_wait3A_325 = tpu.memref_slice %arg4[%multiple_of3A_323] : memref<1000000xf32, #tpu.memory_space<hbm>> -> memref<1600xf32, #tpu.memory_space<hbm>>
          tpu.wait_dma2 semaphore(%arg13 : memref<!tpu.dma_semaphore, #tpu.memory_space<semaphore_mem>>) src(%arg8 : memref<1600xf32, #tpu.memory_space<vmem>>) dst(%dma_wait3A_325 : memref<1600xf32, #tpu.memory_space<hbm>>)
        } else {
        }
        %scan3A_309 = arith.constant 0 : i32
        %scan3A_310 = arith.constant 0 : i32
        %scan3A_311 = arith.constant 100 : i32
        %scan3A_312 = arith.addi %scan3A_310, %scan3A_311 : i32
        %scan3A_313 = arith.constant 1 : i32
        scf.for %scan3A_320 = %scan3A_310 to %scan3A_312 step %scan3A_313  : i32 {
          %mul3A_321 = arith.constant 256 : i32
          %mul3A_322 = arith.muli %scan3A_320, %mul3A_321 : i32
          %add3A_323 = vector.broadcast %mul3A_322 : i32 to vector<16xi32>
          %add3A_324 = arith.addi %add3A_39, %add3A_323 : vector<16xi32>
          %add3A_325 = vector.broadcast %mul3A_322 : i32 to vector<16xi32>
          %add3A_326 = arith.addi %add3A_45, %add3A_325 : vector<16xi32>
          %add3A_327 = vector.broadcast %mul3A_322 : i32 to vector<16xi32>
          %add3A_328 = arith.addi %add3A_51, %add3A_327 : vector<16xi32>
          %add3A_329 = vector.broadcast %mul3A_322 : i32 to vector<16xi32>
          %add3A_330 = arith.addi %add3A_57, %add3A_329 : vector<16xi32>
          %add3A_331 = vector.broadcast %mul3A_322 : i32 to vector<16xi32>
          %add3A_332 = arith.addi %add3A_63, %add3A_331 : vector<16xi32>
          %add3A_333 = vector.broadcast %mul3A_322 : i32 to vector<16xi32>
          %add3A_334 = arith.addi %add3A_69, %add3A_333 : vector<16xi32>
          %add3A_335 = vector.broadcast %mul3A_322 : i32 to vector<16xi32>
          %add3A_336 = arith.addi %add3A_75, %add3A_335 : vector<16xi32>
          %add3A_337 = vector.broadcast %mul3A_322 : i32 to vector<16xi32>
          %add3A_338 = arith.addi %add3A_81, %add3A_337 : vector<16xi32>
          %add3A_339 = vector.broadcast %mul3A_322 : i32 to vector<16xi32>
          %add3A_340 = arith.addi %add3A_87, %add3A_339 : vector<16xi32>
          %add3A_341 = vector.broadcast %mul3A_322 : i32 to vector<16xi32>
          %add3A_342 = arith.addi %add3A_93, %add3A_341 : vector<16xi32>
          %add3A_343 = vector.broadcast %mul3A_322 : i32 to vector<16xi32>
          %add3A_344 = arith.addi %add3A_99, %add3A_343 : vector<16xi32>
          %add3A_345 = vector.broadcast %mul3A_322 : i32 to vector<16xi32>
          %add3A_346 = arith.addi %add3A_105, %add3A_345 : vector<16xi32>
          %add3A_347 = vector.broadcast %mul3A_322 : i32 to vector<16xi32>
          %add3A_348 = arith.addi %add3A_111, %add3A_347 : vector<16xi32>
          %add3A_349 = vector.broadcast %mul3A_322 : i32 to vector<16xi32>
          %add3A_350 = arith.addi %add3A_117, %add3A_349 : vector<16xi32>
          %add3A_351 = vector.broadcast %mul3A_322 : i32 to vector<16xi32>
          %add3A_352 = arith.addi %add3A_123, %add3A_351 : vector<16xi32>
          %add3A_353 = vector.broadcast %mul3A_322 : i32 to vector<16xi32>
          %add3A_354 = arith.addi %add3A_129, %add3A_353 : vector<16xi32>
          %gather3A = tpu.vector_load_idx %arg6[%add3A_324] : memref<25600xf32, #tpu.memory_space<vmem>>[vector<16xi32>], vector<16xf32>,
          %mul3A_355 = vector.broadcast %squeeze3A : f32 to vector<16xf32>
          %mul3A_356 = arith.mulf %mul3A_355, %gather3A : vector<16xf32>
          %gather3A_357 = tpu.vector_load_idx %arg6[%add3A_326] : memref<25600xf32, #tpu.memory_space<vmem>>[vector<16xi32>], vector<16xf32>,
          %mul3A_358 = vector.broadcast %squeeze3A_5 : f32 to vector<16xf32>
          %mul3A_359 = arith.mulf %mul3A_358, %gather3A_357 : vector<16xf32>
          %gather3A_360 = tpu.vector_load_idx %arg6[%add3A_328] : memref<25600xf32, #tpu.memory_space<vmem>>[vector<16xi32>], vector<16xf32>,
          %mul3A_361 = vector.broadcast %squeeze3A_7 : f32 to vector<16xf32>
          %mul3A_362 = arith.mulf %mul3A_361, %gather3A_360 : vector<16xf32>
          %gather3A_363 = tpu.vector_load_idx %arg6[%add3A_330] : memref<25600xf32, #tpu.memory_space<vmem>>[vector<16xi32>], vector<16xf32>,
          %mul3A_364 = vector.broadcast %squeeze3A_9 : f32 to vector<16xf32>
          %mul3A_365 = arith.mulf %mul3A_364, %gather3A_363 : vector<16xf32>
          %gather3A_366 = tpu.vector_load_idx %arg6[%add3A_332] : memref<25600xf32, #tpu.memory_space<vmem>>[vector<16xi32>], vector<16xf32>,
          %mul3A_367 = vector.broadcast %squeeze3A_11 : f32 to vector<16xf32>
          %mul3A_368 = arith.mulf %mul3A_367, %gather3A_366 : vector<16xf32>
          %add3A_369 = arith.addf %mul3A_356, %mul3A_368 : vector<16xf32>
          %gather3A_370 = tpu.vector_load_idx %arg6[%add3A_334] : memref<25600xf32, #tpu.memory_space<vmem>>[vector<16xi32>], vector<16xf32>,
          %mul3A_371 = vector.broadcast %squeeze3A_13 : f32 to vector<16xf32>
          %mul3A_372 = arith.mulf %mul3A_371, %gather3A_370 : vector<16xf32>
          %add3A_373 = arith.addf %mul3A_359, %mul3A_372 : vector<16xf32>
          %gather3A_374 = tpu.vector_load_idx %arg6[%add3A_336] : memref<25600xf32, #tpu.memory_space<vmem>>[vector<16xi32>], vector<16xf32>,
          %mul3A_375 = vector.broadcast %squeeze3A_15 : f32 to vector<16xf32>
          %mul3A_376 = arith.mulf %mul3A_375, %gather3A_374 : vector<16xf32>
          %add3A_377 = arith.addf %mul3A_362, %mul3A_376 : vector<16xf32>
          %gather3A_378 = tpu.vector_load_idx %arg6[%add3A_338] : memref<25600xf32, #tpu.memory_space<vmem>>[vector<16xi32>], vector<16xf32>,
          %mul3A_379 = vector.broadcast %squeeze3A_17 : f32 to vector<16xf32>
          %mul3A_380 = arith.mulf %mul3A_379, %gather3A_378 : vector<16xf32>
          %add3A_381 = arith.addf %mul3A_365, %mul3A_380 : vector<16xf32>
          %gather3A_382 = tpu.vector_load_idx %arg6[%add3A_340] : memref<25600xf32, #tpu.memory_space<vmem>>[vector<16xi32>], vector<16xf32>,
          %mul3A_383 = vector.broadcast %squeeze3A_19 : f32 to vector<16xf32>
          %mul3A_384 = arith.mulf %mul3A_383, %gather3A_382 : vector<16xf32>
          %add3A_385 = arith.addf %add3A_369, %mul3A_384 : vector<16xf32>
          %gather3A_386 = tpu.vector_load_idx %arg6[%add3A_342] : memref<25600xf32, #tpu.memory_space<vmem>>[vector<16xi32>], vector<16xf32>,
          %mul3A_387 = vector.broadcast %squeeze3A_21 : f32 to vector<16xf32>
          %mul3A_388 = arith.mulf %mul3A_387, %gather3A_386 : vector<16xf32>
          %add3A_389 = arith.addf %add3A_373, %mul3A_388 : vector<16xf32>
          %gather3A_390 = tpu.vector_load_idx %arg6[%add3A_344] : memref<25600xf32, #tpu.memory_space<vmem>>[vector<16xi32>], vector<16xf32>,
          %mul3A_391 = vector.broadcast %squeeze3A_23 : f32 to vector<16xf32>
          %mul3A_392 = arith.mulf %mul3A_391, %gather3A_390 : vector<16xf32>
          %add3A_393 = arith.addf %add3A_377, %mul3A_392 : vector<16xf32>
          %gather3A_394 = tpu.vector_load_idx %arg6[%add3A_346] : memref<25600xf32, #tpu.memory_space<vmem>>[vector<16xi32>], vector<16xf32>,
          %mul3A_395 = vector.broadcast %squeeze3A_25 : f32 to vector<16xf32>
          %mul3A_396 = arith.mulf %mul3A_395, %gather3A_394 : vector<16xf32>
          %add3A_397 = arith.addf %add3A_381, %mul3A_396 : vector<16xf32>
          %gather3A_398 = tpu.vector_load_idx %arg6[%add3A_348] : memref<25600xf32, #tpu.memory_space<vmem>>[vector<16xi32>], vector<16xf32>,
          %mul3A_399 = vector.broadcast %squeeze3A_27 : f32 to vector<16xf32>
          %mul3A_400 = arith.mulf %mul3A_399, %gather3A_398 : vector<16xf32>
          %add3A_401 = arith.addf %add3A_385, %mul3A_400 : vector<16xf32>
          %gather3A_402 = tpu.vector_load_idx %arg6[%add3A_350] : memref<25600xf32, #tpu.memory_space<vmem>>[vector<16xi32>], vector<16xf32>,
          %mul3A_403 = vector.broadcast %squeeze3A_29 : f32 to vector<16xf32>
          %mul3A_404 = arith.mulf %mul3A_403, %gather3A_402 : vector<16xf32>
          %add3A_405 = arith.addf %add3A_389, %mul3A_404 : vector<16xf32>
          %gather3A_406 = tpu.vector_load_idx %arg6[%add3A_352] : memref<25600xf32, #tpu.memory_space<vmem>>[vector<16xi32>], vector<16xf32>,
          %mul3A_407 = vector.broadcast %squeeze3A_31 : f32 to vector<16xf32>
          %mul3A_408 = arith.mulf %mul3A_407, %gather3A_406 : vector<16xf32>
          %add3A_409 = arith.addf %add3A_393, %mul3A_408 : vector<16xf32>
          %gather3A_410 = tpu.vector_load_idx %arg6[%add3A_354] : memref<25600xf32, #tpu.memory_space<vmem>>[vector<16xi32>], vector<16xf32>,
          %mul3A_411 = vector.broadcast %squeeze3A_33 : f32 to vector<16xf32>
          %mul3A_412 = arith.mulf %mul3A_411, %gather3A_410 : vector<16xf32>
          %add3A_413 = arith.addf %add3A_397, %mul3A_412 : vector<16xf32>
          %add3A_414 = arith.addf %add3A_401, %add3A_405 : vector<16xf32>
          %add3A_415 = arith.addf %add3A_409, %add3A_413 : vector<16xf32>
          %add3A_416 = arith.addf %add3A_414, %add3A_415 : vector<16xf32>
          %mul3A_417 = arith.constant 16 : i32
          %mul3A_418 = arith.muli %scan3A_320, %mul3A_417 : i32
          %swap3A = arith.index_cast %mul3A_418 : i32 to index
          %swap3A_419 = tpu.vector_load %arg8[%swap3A] {strides = array<i32>} : memref<1600xf32, #tpu.memory_space<vmem>>, vector<16xf32>,
          tpu.vector_store %arg8[%swap3A], %add3A_416 {strides = array<i32>} : memref<1600xf32, #tpu.memory_space<vmem>>, vector<16xf32>,
        }
        %scan3A_314 = arith.constant 100 : i32
        %mul3A_315 = arith.constant 1600 : i32
        %mul3A_316 = arith.muli %add3A_221, %mul3A_315 : i32
        %multiple_of3A_317 = tpu.assume_multiple %mul3A_316, 1600 : i32
        %dma_start3A_318 = tpu.memref_slice %arg4[%multiple_of3A_317] : memref<1000000xf32, #tpu.memory_space<hbm>> -> memref<1600xf32, #tpu.memory_space<hbm>>
        %dma_start3A_319 = tpu.memref_slice %arg4[%multiple_of3A_317] : memref<1000000xf32, #tpu.memory_space<hbm>> -> memref<1600xf32, #tpu.memory_space<hbm>>
        tpu.enqueue_dma source(%arg8 : memref<1600xf32, #tpu.memory_space<vmem>>) target(%dma_start3A_319 : memref<1600xf32, #tpu.memory_space<hbm>>) target_semaphore(%arg13 : memref<!tpu.dma_semaphore, #tpu.memory_space<semaphore_mem>>)
      } else {
      }
    }
    %scan3A_199 = arith.constant 10 : i32
    %mul3A_200 = arith.constant 1600 : i32
    %mul3A_201 = arith.muli %add3A, %mul3A_200 : i32
    %multiple_of3A_202 = tpu.assume_multiple %mul3A_201, 1600 : i32
    %dma_wait3A = tpu.memref_slice %arg4[%multiple_of3A_202] : memref<1000000xf32, #tpu.memory_space<hbm>> -> memref<1600xf32, #tpu.memory_space<hbm>>
    %dma_wait3A_203 = tpu.memref_slice %arg4[%multiple_of3A_202] : memref<1000000xf32, #tpu.memory_space<hbm>> -> memref<1600xf32, #tpu.memory_space<hbm>>
    tpu.wait_dma2 semaphore(%arg12 : memref<!tpu.dma_semaphore, #tpu.memory_space<semaphore_mem>>) src(%arg7 : memref<1600xf32, #tpu.memory_space<vmem>>) dst(%dma_wait3A_203 : memref<1600xf32, #tpu.memory_space<hbm>>)
    %mul3A_204 = arith.constant 1600 : i32
    %mul3A_205 = arith.muli %add3A, %mul3A_204 : i32
    %multiple_of3A_206 = tpu.assume_multiple %mul3A_205, 1600 : i32
    %dma_wait3A_207 = tpu.memref_slice %arg4[%multiple_of3A_206] : memref<1000000xf32, #tpu.memory_space<hbm>> -> memref<1600xf32, #tpu.memory_space<hbm>>
    %dma_wait3A_208 = tpu.memref_slice %arg4[%multiple_of3A_206] : memref<1000000xf32, #tpu.memory_space<hbm>> -> memref<1600xf32, #tpu.memory_space<hbm>>
    tpu.wait_dma2 semaphore(%arg13 : memref<!tpu.dma_semaphore, #tpu.memory_space<semaphore_mem>>) src(%arg8 : memref<1600xf32, #tpu.memory_space<vmem>>) dst(%dma_wait3A_208 : memref<1600xf32, #tpu.memory_space<hbm>>)
    return
  }
}

</mosaic_0001>

<sc_bundles>
// kernel: kernel.3.cloned.1.call-start
scs
__scs_entry_jumppad:
0x0: {  	(pc) =	sbr.rel $0x88, $3  }
0x1: {  	(tag) =	ssettag $0x0;
	lr =	simm.s32 $0x1  }
0x2: {  	[smem:$0x3F9F] =	sst lr;
	_ =	strace $0xD0000000  }
0x3: {  	_ = 	snop  }
0x4: {  	_ = 	snop  }
0x5: {  	_ = 	snop  }
0x6: {  	_ = 	snop  }
0x7: {  	_ = 	snop  }
__scs_overlays_trampoline_lowered:
0x8: {  	[smem:$0x3FAE] =	sst s0  }
0x9: {  	[smem:$0x3FAF] =	sst s1  }
0xa: {  	[smem:$0x3FB0] =	sst s2  }
0xb: {  	[smem:$0x3FB1] =	sst s3  }
0xc: {  	[smem:$0x3FB2] =	sst s4  }
0xd: {  	[smem:$0x3FB3] =	sst s5  }
0xe: {  	[smem:$0x3FB4] =	sst s6  }
0xf: {  	[smem:$0x3FB5] =	sst s7  }
0x10: {  	[smem:$0x3FB6] =	sst s8  }
0x11: {  	[smem:$0x3FB7] =	sst s9;
	s0 =	simm.s32 @!p0 $0x0  }
0x12: {  	s1 =	sld [smem:$0x3F9D];
	s0 =	simm.s32 @p0 $0x1  }
0x13: {  	[smem:$0x3FB8] =	sst s0;
	s0 =	simm.s32 @!p1 $0x0  }
0x14: {  	s2 =	sld [smem:$0x3F9C];
	s0 =	simm.s32 @p1 $0x1  }
0x15: {  	[smem:$0x3FB9] =	sst s0;
	s0 =	simm.s32 @!p2 $0x0  }
0x16: {  	s3 =	sld [smem:$0x3FDB];
	s0 =	simm.s32 @p2 $0x1  }
0x17: {  	s4 =	simm.s32 $0x1BF5;
	[smem:$0x3FBB] =	sst s0  }
0x18: {  	s0 =	sld [smem:$0x3F9E];
	_ =	swait.ge [sflag:s4], $0x0  }
0x19: {  	s7 =	sld [smem:$0x3F9F]  }
0x1a: {  	s8 =	sadd.s32 $0xFFFFE003, lr  }
0x1b: {  	s9 =	sadd.s32 $0xFFFFFEF7, lr;
	s5 =	simm.s32 $0xFFFFFFFF;
	p2 =	slt.u32 s8, $0xFFFFF086  }
0x1c: {  	p1 =	slt.u32 s9, $0xF7A;
	s5 =	simm.s32 @!p2 $0x0  }
0x1d: {  	s5 =	simm.s32 @p1 $0x1;
	p0 =	seq.s32 s7, s2  }
0x1e: {  	s7 =	smul.u32 @!p0 $0xF7A, s2;
	p2 =	seq.s32 @!p0 s5, $0x0  }
0x1f: {  	s9 =	smul.u32 $0xF7A, s1;
	s8 =	simm.s32 @!p0 $0x1BF5;
	p2 =	por !p2, p0  }
0x20: {  	[sflag:s8] =	ssyncset.s32 @!p0 $0xFFFFF086;
	s6 =	sadd.s32 @!p0 s3, s7;
	s7 =	simm.s32 @!p0 $0x108  }
0x21: {  	s3 =	sadd.s32 s3, s9;
	s6 =	sadd.s32 @!p0 $0x88, s6;
	s7 =	simm.s32 @p2 $0x1082  }
0x22: {  	[simem:s7], [sflag:s8] =	dma.local @!p0 [hbm:s6], $0xF7A  }
0x23: {  	s9 =	sor.u32 $0xD0000000, s2;
	s6 =	simm.s32 $0x108;
	_ =	swait.ge @!p0 [sflag:s8], $0x0  }
0x24: {  	s3 =	sadd.s32 $0x88, s3;
	s6 =	simm.s32 @!p1 $0x1082;
	[sflag:s4] =	ssyncset.s32 $0xFFFFF086  }
0x25: {  	[simem:s6], [sflag:s4] =	dma.local [hbm:s3], $0xF7A  }
0x26: {  	[smem:$0x3F9F] =	sst s1;
	(tag) =	ssettag s2;
	_ =	strace s9  }
0x27: {  	s1 =	sld [smem:$0x3FAF]  }
0x28: {  	s2 =	sld [smem:$0x3FB0]  }
0x29: {  	s4 =	sld [smem:$0x3FB2]  }
0x2a: {  	p0 =	seq.s32 s5, $0x0;
	s5 =	sld [smem:$0x3FB3]  }
0x2b: {  	s6 =	sld [smem:$0x3FB4]  }
0x2c: {  	s7 =	sld [smem:$0x3FB5]  }
0x2d: {  	s3 =	simm.s32 $0x108;
	s8 =	sld [smem:$0x3FB6]  }
0x2e: {  	s3 =	simm.s32 @!p0 $0x1082;
	s9 =	sld [smem:$0x3FB7]  }
0x2f: {  	lr =	sadd.s32 s0, s3;
	s0 =	sld [smem:$0x3FAE]  }
0x30: {  	s3 =	sld [smem:$0x3FB1]  }
0x31: {  	[smem:$0x3FBA] =	sst s10  }
0x32: {  	s10 =	sld [smem:$0x3FB8];
	_ =	sdelay $0x3  }
0x33: {  	p0 =	seq.s32 s10, $0x1;
	s10 =	sld [smem:$0x3FBA];
	_ =	sdelay $0x3  }
0x34: {  	[smem:$0x3FBA] =	sst s10  }
0x35: {  	s10 =	sld [smem:$0x3FB9];
	_ =	sdelay $0x3  }
0x36: {  	p1 =	seq.s32 s10, $0x1;
	s10 =	sld [smem:$0x3FBA];
	_ =	sdelay $0x3  }
0x37: {  	[smem:$0x3FBA] =	sst s10  }
0x38: {  	s10 =	sld [smem:$0x3FBB]  }
0x39: {  	_ = 	snop;
	(pc) =	sbr.ind lr, $3  }
0x3a: {  	_ = 	snop  }
0x3b: {  	_ = 	snop  }
0x3c: {  	p2 =	seq.s32 s10, $0x1;
	s10 =	sld [smem:$0x3FBA]  }
0x3d: {  	_ =	shalt  }
0x3e: {  	_ =	shalt  }
0x3f: {  	_ =	shalt  }
0x40: {  	_ =	shalt  }
0x41: {  	_ =	shalt  }
0x42: {  	_ =	shalt  }
0x43: {  	_ =	shalt  }
0x44: {  	_ =	shalt  }
0x45: {  	_ =	shalt  }
0x46: {  	_ =	shalt  }
0x47: {  	_ =	shalt  }
0x48: {  	_ =	shalt  }
0x49: {  	_ =	shalt  }
0x4a: {  	_ =	shalt  }
0x4b: {  	_ =	shalt  }
0x4c: {  	_ =	shalt  }
0x4d: {  	_ =	shalt  }
0x4e: {  	_ =	shalt  }
0x4f: {  	_ =	shalt  }
0x50: {  	_ =	shalt  }
0x51: {  	_ =	shalt  }
0x52: {  	_ =	shalt  }
0x53: {  	_ =	shalt  }
0x54: {  	_ =	shalt  }
0x55: {  	_ =	shalt  }
0x56: {  	_ =	shalt  }
0x57: {  	_ =	shalt  }
0x58: {  	_ =	shalt  }
0x59: {  	_ =	shalt  }
0x5a: {  	_ =	shalt  }
0x5b: {  	_ =	shalt  }
0x5c: {  	_ =	shalt  }
0x5d: {  	_ =	shalt  }
0x5e: {  	_ =	shalt  }
0x5f: {  	_ =	shalt  }
0x60: {  	_ =	shalt  }
0x61: {  	_ =	shalt  }
0x62: {  	_ =	shalt  }
0x63: {  	_ =	shalt  }
0x64: {  	_ =	shalt  }
0x65: {  	_ =	shalt  }
0x66: {  	_ =	shalt  }
0x67: {  	_ =	shalt  }
0x68: {  	_ =	shalt  }
0x69: {  	_ =	shalt  }
0x6a: {  	_ =	shalt  }
0x6b: {  	_ =	shalt  }
0x6c: {  	_ =	shalt  }
0x6d: {  	_ =	shalt  }
0x6e: {  	_ =	shalt  }
0x6f: {  	_ =	shalt  }
0x70: {  	_ =	shalt  }
0x71: {  	_ =	shalt  }
0x72: {  	_ =	shalt  }
0x73: {  	_ =	shalt  }
0x74: {  	_ =	shalt  }
0x75: {  	_ =	shalt  }
0x76: {  	_ =	shalt  }
0x77: {  	_ =	shalt  }
0x78: {  	_ =	shalt  }
0x79: {  	_ =	shalt  }
0x7a: {  	_ =	shalt  }
0x7b: {  	_ =	shalt  }
0x7c: {  	_ =	shalt  }
0x7d: {  	_ =	shalt  }
0x7e: {  	_ =	shalt  }
0x7f: {  	_ =	shalt  }
0x80: {  	_ =	shalt  }
0x81: {  	_ =	shalt  }
0x82: {  	_ =	shalt  }
0x83: {  	_ =	shalt  }
0x84: {  	_ =	shalt  }
0x85: {  	_ =	shalt  }
0x86: {  	_ =	shalt  }
0x87: {  	_ =	shalt  }
.Lfunc_end0:
.L_simem_size_0:
called_computation_lowered:
.L_overlay_start_0:
0x88: {  	s2 =	sld [smem:$0x3FD9]  }
0x89: {  	s3 =	sld [smem:$0x3FFE];
	_ =	sdelay $0x1  }
0x8a: {  	s1 =	srdreg.scid  }
0x8b: {  	s0 =	sand.u32 $0x1, s1  }
0x8c: {  	s17 =	sshll.u32 s0, $0xA;
	s2 =	sadd.s32 s3, s2  }
0x8d: {  	s2 =	sadd.s32 s2, s17  }
0x8e: {  	[smem:$0x3FC6] =	sst s2  }
0x8f: {  	_ = 	snop  }
0x90: {  	s2 =	sld [smem:$0x3FC8]  }
0x91: {  	s18 =	sld [smem:$0x3FD0];
	(tm) =	ssettm $0x1  }
0x92: {  	s4 =	sld [smem:$0x3FFB];
	_ =	sdelay $0x3  }
0x93: {  	_ =	strace s4  }
0x94: {  	s4 =	sld [smem:$0x3FFC];
	_ =	sdelay $0x3  }
0x95: {  	_ =	strace s4  }
0x96: {  	s4 =	sld [smem:$0x3FFD];
	_ =	sdelay $0x3  }
0x97: {  	_ =	strace s4  }
0x98: {  	_ =	strace $0x8FFFFFFF  }
0x99: {  	s19 =	sld [smem:$0x3FDB];
	_ =	sdelay $0x1  }
0x9a: {  	s5 =	simm.s32 $_scs_section_size  }
0x9b: {  	s6 =	simm.s32 $_size__tile_overlayer_lowered;
	s7 =	simm.s32 $_tile_overlayer_lowered  }
0x9c: {  	s22 =	simm.s32 $0x1BFF;
	s21 =	sshll.u32 s7, $0x1;
	s4 =	sadd.s32 s5, s19  }
0x9d: {  	s8 =	simm.s32 $0x0;
	s20 =	sshll.u32 s6, $0x1;
	s6 =	sadd.s32 s21, s4  }
0x9e: {  	[timem:s8], [sflag:s22] =	dma.local [hbm:s6], s20  }
0x9f: {  	_ =	swait.ge [sflag:s22], s20  }
0xa0: {  	s5 =	ssub.s32 $0x0, s20;
	[sflag:s22] =	ssyncset.done $0x0  }
0xa1: {  	[sflag:s22] =	ssyncadd.s32 s5;
	_ =	sdelay $0x1  }
0xa2: {  	s23 =	simm.s32 $0x1B8B  }
0xa3: {  	_ =	swait.ge [sflag:s23], $0x1  }
0xa4: {  	[sflag:s23] =	ssyncset.done $0x0  }
0xa5: {  	s25 =	simm.s32 $0x1B8E;
	s24 =	sld [smem:$0x3FFE];
	[sflag:s23] =	ssyncadd.s32 $0xFFFFFFFF  }
0xa6: {  	s26 =	simm.s32 $execute0_lowered;
	[smem:$0x3FD2] =	sst s25  }
0xa7: {  	s6 =	sshll.u32 s26, $0x1;
	_ =	strace $0x80000046;
	[dreg:$0x1] =	wrdreg $0xFFFFFFFF  }
0xa8: {  	s28 =	simm.s32 $_size_execute0_lowered;
	s4 =	sadd.s32 s4, s6;
	[dreg:$0x0] =	wrdreg $0x0  }
0xa9: {  	s6 =	sshll.u32 s28, $0x1;
	[dreg:$0x2] =	wrdreg s4  }
0xaa: {  	[dreg:$0x3] =	wrdreg s6  }
0xab: {  	[dreg:$0x4] =	wrdreg $0xC0  }
0xac: {  	_ =	task [dreg:s8], $0x5FFFF  }
0xad: {  	[dreg:$0x1] =	wrdreg $0xFFFFFFFF  }
0xae: {  	[dreg:$0x0] =	wrdreg $0x60  }
0xaf: {  	[dreg:$0x2] =	wrdreg s24  }
0xb0: {  	[dreg:$0x3] =	wrdreg s2  }
0xb1: {  	[dreg:$0x4] =	wrdreg s18  }
0xb2: {  	[dreg:$0x5] =	wrdreg $0x9  }
0xb3: {  	_ =	task.clear_ibuf [dreg:s8], $0x6FFFF;
	_ =	strace $0x90000046  }
0xb4: {  	s29 =	simm.s32 $0x9;
	_ =	strace $0x80000048  }
0xb5: {  	_ =	swait.ge [sflag:s29], $0x1  }
0xb6: {  	[sflag:s29] =	ssyncadd.s32 $0xFFFFFFFF  }
0xb7: {  	_ =	strace $0x90000048  }
0xb8: {  	_ =	sfence  }
0xb9: {  	s30 =	sld [smem:$0x0];
	_ =	sdelay $0x2  }
0xba: {  	s31 =	sshll.u32 s1, $0xD;
	s1 =	sshrl.u32 s1, $0x2  }
0xbb: {  	s3 =	sand.u32 $0x4000, s31;
	s1 =	sadd.s32 s1, s30  }
0xbc: {  	s0 =	sor.u32 s3, s0;
	s1 =	sshll.u32 s1, $0x11  }
0xbd: {  	s0 =	sor.u32 s1, s0  }
0xbe: {  	s0 =	sadd.s32 $0x8F2B, s0  }
0xbf: {  	[sflag:s0] =	ssyncadd.remote.s32 $0x1  }
0xc0: {  	_ =	sfence.sel $0xFFFF  }
0xc1: {  	[dreg:$0x0] =	wrdreg $0xFFFFFFFF;
	(pc) =	sbr.abs _section_cstart, $3  }
0xc2: {  	[dreg:$0x1] =	wrdreg $0xFFFFFFFF  }
0xc3: {  	_ =	task.clear_ibuf [dreg:s8], $0x2FFFF;
	_ =	strace $0x9FFFFFFF  }
0xc4: {  	(tm) =	ssettm $0x7FFFFFFF  }
0xc5: {  	_ =	shalt  }
tec
execute0_lowered:
.L_overlay_start_1:
0x0: {  	(tag) =	ssettag $0x1  }
0x1: {  	s0 =	srdreg.scid;
	s1 =	rddreg [dreg:$0x0]  }
0x2: {  	s2 =	stileid.u32;
	s4 =	rddreg [dreg:$0x2]  }
0x3: {  	s5 =	simm.s32 $0x0;
	s17 =	simm.s32 $0x5;
	s23 =	simm.s32 $0x4B00  }
0x4: {  	s24 =	simm.s32 $0x5780;
	s28 =	simm.s32 $0x2;
	s29 =	simm.s32 $0x6400  }
0x5: {  	s30 =	simm.s32 $0xCE80;
	s0 =	sand.u32 $0x1, s0;
	s2 =	sshll.u32 s2, $0x1  }
0x6: {  	v0 =	vlaneseq.u32;
	s31 =	simm.s32 $0x3;
	s6 =	sadd.s32 $0xF42800, s1;
	s3 =	sor.u32 s0, s2  }
0x7: {  	[smem:$0x7FF] =	sst s5;
	v0 =	vmul.u32 $0x10, v0;
	s0 =	ssub.s32 $0x2, s0;
	s2 =	smul.u32 $0x6400, s3  }
0x8: {  	s1 =	simm.s32 $0x4;
	_ =	strace $0x80000047;
	s26 =	sshrl.u32 s0, $0x1  }
.Ltmp0:
0x9: {  	v1 =	vor.u32 $0x1, v0;
	v2 =	vor.u32 $0x2, v0;
	v3 =	vor.u32 $0x3, v0;
	s0 =	ssub.s32 s0, s26;
	s25 =	sshrl.u32 s2, $0x3;
	(pc) =	sbr.rel .LBB2_1-.Ltmp0, $4  }
0xa: {  	v4 =	vor.u32 $0x4, v0;
	v5 =	vor.u32 $0x5, v0;
	v6 =	vor.u32 $0x6, v0;
	s26 =	simm.s32 $0xC800;
	s15 =	smax.u32 s0, $0x1;
	s7 =	sadd.s32 s6, s25  }
0xb: {  	v7 =	vor.u32 $0x7, v0;
	v8 =	vor.u32 $0x8, v0;
	v9 =	vor.u32 $0x9, v0;
	s0 =	simm.s32 $0x0;
	s25 =	simm.s32 $0x1;
	s8 =	sadd.s32 $0x190, s7  }
0xc: {  	v10 =	vor.u32 $0xA, v0;
	v11 =	vor.u32 $0xB, v0;
	v12 =	vor.u32 $0xC, v0;
	s9 =	sadd.s32 $0x320, s7;
	s10 =	sadd.s32 $0x4B0, s7;
	s11 =	sadd.s32 $0x640, s7  }
0xd: {  	v13 =	vor.u32 $0xD, v0;
	v14 =	vor.u32 $0xE, v0;
	v15 =	vor.u32 $0xF, v0;
	s12 =	sadd.s32 $0x7D0, s7;
	s13 =	sadd.s32 $0x960, s7;
	s14 =	sadd.s32 $0xAF0, s7  }
.LBB2_9:
0xe: {  	s0 =	sadd.s32 $0x1, s0  }
0xf: {  	_ =	swait.ge [sflag:s31], $0x640;
	p0 =	sne.s32 s0, s15  }
.Ltmp1:
0x10: {  	[sflag:s31] =	ssyncset.done $0x0;
	(pc) =	sbr.rel @!p0 .LBB2_10-.Ltmp1, $4  }
0x11: {  	[sflag:s31] =	ssyncadd.s32 $0xFFFFF9C0  }
0x12: {  	_ =	swait.ge [sflag:s1], $0x640  }
0x13: {  	[sflag:s1] =	ssyncset.done $0x0  }
0x14: {  	[sflag:s1] =	ssyncadd.s32 $0xFFFFF9C0  }
.LBB2_1:
0x15: {  	s2 =	rddreg [dreg:$0x1];
	s16 =	simm.s32 $0xD500  }
0x16: {  	[tilespmem:s16], [sflag:$0x5] =	stream.linear.gather [hbm4b:s2+s5], $0x80, $0x38;
	[tilespmem:$0xD580] =	vst v63  }
0x17: {  	_ =	swait.ge [sflag:s17], $0x80  }
0x18: {  	[sflag:s17] =	ssyncset.done $0x0  }
0x19: {  	[sflag:s17] =	ssyncadd.s32 $0xFFFFFF80  }
0x1a: {  	v31 =	vld [tilespmem:$0xD500];
	[tilespmem:s5], [sflag:$0x1] =	stream.linear.gather [hbm4b:s7+s5], $0xC80, $0x38  }
0x1b: {  	s18 =	simm.s32 $0xC80  }
0x1c: {  	[tilespmem:s18], [sflag:$0x1] =	stream.linear.gather [hbm4b:s8+s5], $0xC80, $0x38;
	[tilespmem:$0xD580] =	vst v63  }
0x1d: {  	s19 =	simm.s32 $0x1900  }
0x1e: {  	[tilespmem:s19], [sflag:$0x1] =	stream.linear.gather [hbm4b:s9+s5], $0xC80, $0x38;
	[tilespmem:$0xD580] =	vst v63  }
0x1f: {  	s20 =	simm.s32 $0x2580  }
0x20: {  	[tilespmem:s20], [sflag:$0x1] =	stream.linear.gather [hbm4b:s10+s5], $0xC80, $0x38;
	[tilespmem:$0xD580] =	vst v63  }
0x21: {  	s21 =	simm.s32 $0x3200  }
0x22: {  	v16 =	vbroadcast v31, $0x0;
	v17 =	vbroadcast v31, $0x1;
	[tilespmem:s21], [sflag:$0x1] =	stream.linear.gather [hbm4b:s11+s5], $0xC80, $0x38;
	[tilespmem:$0xD580] =	vst v63  }
0x23: {  	s22 =	simm.s32 $0x3E80;
	v18 =	vbroadcast v31, $0x2;
	v19 =	vbroadcast v31, $0x3  }
0x24: {  	v20 =	vbroadcast v31, $0x4;
	v21 =	vbroadcast v31, $0x5;
	[tilespmem:s22], [sflag:$0x1] =	stream.linear.gather [hbm4b:s12+s5], $0xC80, $0x38;
	[tilespmem:$0xD580] =	vst v63  }
.Ltmp2:
0x25: {  	v22 =	vbroadcast v31, $0x6;
	v23 =	vbroadcast v31, $0x7;
	(pc) =	sbr.rel .LBB2_2-.Ltmp2, $4  }
0x26: {  	v24 =	vbroadcast v31, $0x8;
	v25 =	vbroadcast v31, $0x9  }
0x27: {  	v26 =	vbroadcast v31, $0xA;
	v27 =	vbroadcast v31, $0xB;
	[tilespmem:s23], [sflag:$0x1] =	stream.linear.gather [hbm4b:s13+s5], $0xC80, $0x38;
	[tilespmem:$0xD580] =	vst v63  }
0x28: {  	s2 =	simm.s32 $0x0;
	v28 =	vbroadcast v31, $0xC;
	v29 =	vbroadcast v31, $0xD  }
0x29: {  	v30 =	vbroadcast v31, $0xE;
	v31 =	vbroadcast v31, $0xF;
	[tilespmem:s24], [sflag:$0x1] =	stream.linear.gather [hbm4b:s14+s5], $0xC80, $0x38;
	[tilespmem:$0xD580] =	vst v63  }
.LBB2_8:
0x2a: {  	s2 =	sadd.s32 $0x1, s2  }
0x2b: {  	p0 =	sne.s32 s2, $0xA  }
.Ltmp3:
0x2c: {  	_ = 	snop;
	(pc) =	sbr.rel @!p0 .LBB2_9-.Ltmp3, $1  }
0x2d: {  	_ =	sdelay $0x3  }
.LBB2_2:
0x2e: {  	_ =	swait.ge [sflag:s25], $0xC80  }
0x2f: {  	[sflag:s25] =	ssyncset.done $0x0  }
0x30: {  	[sflag:s25] =	ssyncadd.s32 $0xFFFFF380  }
0x31: {  	_ =	swait.ge [sflag:s25], $0xC80  }
0x32: {  	[sflag:s25] =	ssyncset.done $0x0  }
0x33: {  	[sflag:s25] =	ssyncadd.s32 $0xFFFFF380  }
0x34: {  	_ =	swait.ge [sflag:s25], $0xC80  }
0x35: {  	[sflag:s25] =	ssyncset.done $0x0  }
0x36: {  	[sflag:s25] =	ssyncadd.s32 $0xFFFFF380  }
0x37: {  	_ =	swait.ge [sflag:s25], $0xC80  }
0x38: {  	[sflag:s25] =	ssyncset.done $0x0  }
0x39: {  	[sflag:s25] =	ssyncadd.s32 $0xFFFFF380  }
0x3a: {  	_ =	swait.ge [sflag:s25], $0xC80  }
0x3b: {  	[sflag:s25] =	ssyncset.done $0x0  }
0x3c: {  	[sflag:s25] =	ssyncadd.s32 $0xFFFFF380  }
0x3d: {  	_ =	swait.ge [sflag:s25], $0xC80  }
0x3e: {  	s16 =	sshll.u32 s2, $0x6;
	[sflag:s25] =	ssyncset.done $0x0  }
0x3f: {  	s18 =	sor.u32 s3, s16;
	[sflag:s25] =	ssyncadd.s32 $0xFFFFF380  }
0x40: {  	s16 =	sor.u32 $0x20, s18;
	_ =	swait.ge [sflag:s25], $0xC80  }
0x41: {  	p1 =	sgt.u32 s16, $0x270;
	[sflag:s25] =	ssyncset.done $0x0  }
0x42: {  	s19 =	smul.u32 @!p1 $0x6400, s16;
	[sflag:s25] =	ssyncadd.s32 $0xFFFFF380  }
0x43: {  	_ =	swait.ge [sflag:s25], $0xC80  }
0x44: {  	s20 =	simm.s32 @!p1 $0x0;
	s19 =	sshrl.u32 @!p1 s19, $0x3;
	[sflag:s25] =	ssyncset.done $0x0  }
0x45: {  	s21 =	simm.s32 @!p1 $0x6400;
	s19 =	sadd.s32 @!p1 s6, s19;
	[sflag:s25] =	ssyncadd.s32 $0xFFFFF380  }
0x46: {  	[tilespmem:s21], [sflag:$0x2] =	stream.linear.gather @!p1 [hbm4b:s19+s20], $0xC80, $0x38;
	[tilespmem:$0xD580] =	vst v63  }
0x47: {  	s22 =	simm.s32 @!p1 $0x7080;
	s21 =	sadd.s32 @!p1 $0x190, s19  }
0x48: {  	[tilespmem:s22], [sflag:$0x2] =	stream.linear.gather @!p1 [hbm4b:s21+s20], $0xC80, $0x38;
	[tilespmem:$0xD580] =	vst v63  }
0x49: {  	s21 =	sadd.s32 @!p1 $0x320, s19;
	s22 =	simm.s32 @!p1 $0x7D00  }
0x4a: {  	[tilespmem:s22], [sflag:$0x2] =	stream.linear.gather @!p1 [hbm4b:s21+s20], $0xC80, $0x38;
	[tilespmem:$0xD580] =	vst v63  }
0x4b: {  	s21 =	sadd.s32 @!p1 $0x4B0, s19;
	s22 =	simm.s32 @!p1 $0x8980  }
0x4c: {  	[tilespmem:s22], [sflag:$0x2] =	stream.linear.gather @!p1 [hbm4b:s21+s20], $0xC80, $0x38;
	[tilespmem:$0xD580] =	vst v63  }
0x4d: {  	s21 =	sadd.s32 @!p1 $0x640, s19;
	s22 =	simm.s32 @!p1 $0x9600  }
0x4e: {  	[tilespmem:s22], [sflag:$0x2] =	stream.linear.gather @!p1 [hbm4b:s21+s20], $0xC80, $0x38;
	[tilespmem:$0xD580] =	vst v63  }
0x4f: {  	s21 =	sadd.s32 @!p1 $0x7D0, s19;
	s22 =	simm.s32 @!p1 $0xA280  }
0x50: {  	[tilespmem:s22], [sflag:$0x2] =	stream.linear.gather @!p1 [hbm4b:s21+s20], $0xC80, $0x38;
	[tilespmem:$0xD580] =	vst v63  }
0x51: {  	p0 =	seq.s32 s2, $0x0;
	s21 =	sadd.s32 @!p1 $0x960, s19;
	s22 =	simm.s32 @!p1 $0xAF00  }
0x52: {  	[tilespmem:s22], [sflag:$0x2] =	stream.linear.gather @!p1 [hbm4b:s21+s20], $0xC80, $0x38;
	[tilespmem:$0xD580] =	vst v63  }
0x53: {  	s19 =	sadd.s32 @!p1 $0xAF0, s19;
	s21 =	simm.s32 @!p1 $0xBB80;
	s22 =	simm.s32 $0x0  }
0x54: {  	v32 =	vor.u32 s22, v12;
	[tilespmem:s21], [sflag:$0x2] =	stream.linear.gather @!p1 [hbm4b:s19+s20], $0xC80, $0x38;
	[tilespmem:$0xD580] =	vst v63  }
0x55: {  	v33 =	vor.u32 s22, v13;
	s20 =	simm.s32 @!p0 $0x3  }
0x56: {  	v34 =	vor.u32 s22, v8;
	_ =	swait.ge @!p0 [sflag:s20], $0x640  }
0x57: {  	v35 =	vor.u32 s22, v9;
	[sflag:s20] =	ssyncset.done @!p0 $0x0  }
0x58: {  	v36 =	vor.u32 s22, v0;
	[sflag:s20] =	ssyncadd.s32 @!p0 $0xFFFFF9C0  }
0x59: {  	v37 =	vor.u32 s22, v4;
	v32 =	vld.idx.msk [tilespmem:v32+s5+$0x0], $0xffff  }
0x5a: {  	v38 =	vor.u32 s22, v1;
	v33 =	vld.idx.msk [tilespmem:v33+s5+$0x0], $0xffff  }
0x5b: {  	v39 =	vor.u32 s22, v5;
	v34 =	vld.idx.msk [tilespmem:v34+s5+$0x0], $0xffff  }
0x5c: {  	v40 =	vor.u32 s22, v2;
	v35 =	vld.idx.msk [tilespmem:v35+s5+$0x0], $0xffff  }
0x5d: {  	v41 =	vor.u32 s22, v6;
	v36 =	vld.idx.msk [tilespmem:v36+s5+$0x0], $0xffff  }
0x5e: {  	v42 =	vor.u32 s22, v3;
	v37 =	vld.idx.msk [tilespmem:v37+s5+$0x0], $0xffff  }
0x5f: {  	v43 =	vor.u32 s22, v7;
	v38 =	vld.idx.msk [tilespmem:v38+s5+$0x0], $0xffff  }
0x60: {  	v44 =	vor.u32 s22, v10;
	v39 =	vld.idx.msk [tilespmem:v39+s5+$0x0], $0xffff  }
0x61: {  	v45 =	vor.u32 s22, v11;
	v40 =	vld.idx.msk [tilespmem:v40+s5+$0x0], $0xffff  }
0x62: {  	v46 =	vor.u32 s22, v14;
	v41 =	vld.idx.msk [tilespmem:v41+s5+$0x0], $0xffff  }
0x63: {  	v47 =	vor.u32 s22, v15;
	v42 =	vld.idx.msk [tilespmem:v42+s5+$0x0], $0xffff  }
0x64: {  	v43 =	vld.idx.msk [tilespmem:v43+s5+$0x0], $0xffff;
	v32 =	vmul.f32 v32, v28;
	v33 =	vmul.f32 v33, v29  }
0x65: {  	v44 =	vld.idx.msk [tilespmem:v44+s5+$0x0], $0xffff;
	v34 =	vmul.f32 v34, v24;
	v35 =	vmul.f32 v35, v25  }
0x66: {  	v45 =	vld.idx.msk [tilespmem:v45+s5+$0x0], $0xffff;
	v36 =	vmul.f32 v36, v16;
	v37 =	vmul.f32 v37, v20  }
0x67: {  	v46 =	vld.idx.msk [tilespmem:v46+s5+$0x0], $0xffff;
	v38 =	vmul.f32 v38, v17;
	v39 =	vmul.f32 v39, v21  }
0x68: {  	v47 =	vld.idx.msk [tilespmem:v47+s5+$0x0], $0xffff;
	v40 =	vmul.f32 v40, v18;
	v41 =	vmul.f32 v41, v22  }
0x69: {  	v42 =	vmul.f32 v42, v19;
	v43 =	vmul.f32 v43, v23  }
0x6a: {  	v63 =	vmul.f32 v44, v26;
	v36 =	vadd.f32 v37, v36;
	v62 =	vadd.f32 v39, v38  }
0x6b: {  	v49 =	vmul.f32 v45, v27;
	v44 =	vadd.f32 v41, v40;
	v48 =	vadd.f32 v43, v42  }
0x6c: {  	v50 =	vmul.f32 v46, v30;
	v34 =	vadd.f32 v34, v36;
	v35 =	vadd.f32 v35, v62  }
0x6d: {  	v53 =	vmul.f32 v47, v31;
	v51 =	vadd.f32 v63, v44;
	v52 =	vadd.f32 v49, v48  }
0x6e: {  	v32 =	vadd.f32 v32, v34;
	v33 =	vadd.f32 v33, v35  }
0x6f: {  	v54 =	vadd.f32 v50, v51;
	v55 =	vadd.f32 v53, v52  }
0x70: {  	s20 =	simm.s32 $0x100  }
0x71: {  	v56 =	vor.u32 s20, v12;
	v32 =	vadd.f32 v33, v32;
	v57 =	vadd.f32 v55, v54  }
0x72: {  	v58 =	vor.u32 s20, v13  }
0x73: {  	v59 =	vor.u32 s20, v8;
	v32 =	vadd.f32 v57, v32  }
0x74: {  	s19 =	simm.s32 $0xC800;
	v60 =	vor.u32 s20, v9  }
0x75: {  	v61 =	vor.u32 s20, v0;
	[tilespmem:s19+$0x0] =	vst v32  }
0x76: {  	v62 =	vor.u32 s20, v4;
	v32 =	vld.idx.msk [tilespmem:v56+s5+$0x0], $0xffff  }
0x77: {  	v63 =	vor.u32 s20, v1;
	v33 =	vld.idx.msk [tilespmem:v58+s5+$0x0], $0xffff  }
0x78: {  	v42 =	vor.u32 s20, v5;
	v34 =	vld.idx.msk [tilespmem:v59+s5+$0x0], $0xffff  }
0x79: {  	v41 =	vor.u32 s20, v2;
	v36 =	vld.idx.msk [tilespmem:v60+s5+$0x0], $0xffff  }
0x7a: {  	v43 =	vor.u32 s20, v6;
	v35 =	vld.idx.msk [tilespmem:v61+s5+$0x0], $0xffff  }
0x7b: {  	v39 =	vor.u32 s20, v3;
	v37 =	vld.idx.msk [tilespmem:v62+s5+$0x0], $0xffff  }
0x7c: {  	s21 =	simm.s32 $0x200;
	v40 =	vor.u32 s20, v7;
	v38 =	vld.idx.msk [tilespmem:v63+s5+$0x0], $0xffff  }
.LBB2_3:
0x7d: {  	p2 =	sne.s32 s21, $0x6300;
	v42 =	vld.idx.msk [tilespmem:v42+s5+$0x0], $0xffff;
	v44 =	vor.u32 s20, v10  }
0x7e: {  	v45 =	vor.u32 s20, v11;
	v41 =	vld.idx.msk [tilespmem:v41+s5+$0x0], $0xffff  }
0x7f: {  	v46 =	vor.u32 s20, v14;
	v43 =	vld.idx.msk [tilespmem:v43+s5+$0x0], $0xffff  }
0x80: {  	v47 =	vor.u32 s20, v15;
	s20 =	smov.u32 s21;
	v39 =	vld.idx.msk [tilespmem:v39+s5+$0x0], $0xffff  }
0x81: {  	v40 =	vld.idx.msk [tilespmem:v40+s5+$0x0], $0xffff  }
0x82: {  	v32 =	vmul.f32 v32, v28;
	v33 =	vmul.f32 v33, v29;
	v44 =	vld.idx.msk [tilespmem:v44+s5+$0x0], $0xffff  }
0x83: {  	v34 =	vmul.f32 v34, v24;
	v36 =	vmul.f32 v36, v25;
	v45 =	vld.idx.msk [tilespmem:v45+s5+$0x0], $0xffff  }
0x84: {  	v35 =	vmul.f32 v35, v16;
	v37 =	vmul.f32 v37, v20;
	v46 =	vld.idx.msk [tilespmem:v46+s5+$0x0], $0xffff  }
0x85: {  	v38 =	vmul.f32 v38, v17;
	v42 =	vmul.f32 v42, v21;
	v47 =	vld.idx.msk [tilespmem:v47+s5+$0x0], $0xffff  }
0x86: {  	v41 =	vmul.f32 v41, v18;
	v43 =	vmul.f32 v43, v22  }
0x87: {  	v39 =	vmul.f32 v39, v19;
	v40 =	vmul.f32 v40, v23  }
0x88: {  	v35 =	vadd.f32 v37, v35;
	v37 =	vadd.f32 v42, v38;
	v38 =	vmul.f32 v44, v26  }
0x89: {  	v41 =	vadd.f32 v43, v41;
	v39 =	vadd.f32 v40, v39;
	v40 =	vmul.f32 v45, v27  }
0x8a: {  	v34 =	vadd.f32 v34, v35;
	v35 =	vadd.f32 v36, v37;
	v36 =	vmul.f32 v46, v30  }
0x8b: {  	v37 =	vadd.f32 v38, v41;
	v38 =	vadd.f32 v40, v39;
	v39 =	vmul.f32 v47, v31  }
0x8c: {  	v32 =	vadd.f32 v32, v34;
	v33 =	vadd.f32 v33, v35  }
0x8d: {  	v34 =	vadd.f32 v36, v37;
	v35 =	vadd.f32 v39, v38;
	_ =	sdelay $0x1  }
0x8e: {  	v32 =	vadd.f32 v33, v32;
	v36 =	vor.u32 s21, v12;
	v33 =	vadd.f32 v35, v34  }
0x8f: {  	v34 =	vor.u32 s21, v13  }
0x90: {  	v35 =	vor.u32 s21, v8;
	v32 =	vadd.f32 v33, v32  }
0x91: {  	s19 =	sadd.s32 $0x10, s19;
	v37 =	vor.u32 s21, v9  }
0x92: {  	v38 =	vor.u32 s21, v0;
	[tilespmem:s19+$0x0] =	vst v32  }
0x93: {  	v40 =	vor.u32 s21, v4;
	v32 =	vld.idx.msk [tilespmem:v36+s5+$0x0], $0xffff  }
0x94: {  	v44 =	vor.u32 s21, v1;
	v33 =	vld.idx.msk [tilespmem:v34+s5+$0x0], $0xffff  }
.Ltmp4:
0x95: {  	v42 =	vor.u32 s21, v5;
	v34 =	vld.idx.msk [tilespmem:v35+s5+$0x0], $0xffff;
	(pc) =	sbr.rel @p2 .LBB2_3-.Ltmp4, $4  }
0x96: {  	v41 =	vor.u32 s21, v2;
	v36 =	vld.idx.msk [tilespmem:v37+s5+$0x0], $0xffff  }
0x97: {  	v43 =	vor.u32 s21, v6;
	v35 =	vld.idx.msk [tilespmem:v38+s5+$0x0], $0xffff  }
0x98: {  	v39 =	vor.u32 s21, v3;
	v37 =	vld.idx.msk [tilespmem:v40+s5+$0x0], $0xffff  }
0x99: {  	s21 =	sadd.s32 $0x100, s21;
	v40 =	vor.u32 s20, v7;
	v38 =	vld.idx.msk [tilespmem:v44+s5+$0x0], $0xffff  }
0x9a: {  	_ =	sdelay $0x3  }
0x9b: {  	v42 =	vld.idx.msk [tilespmem:v42+s5+$0x0], $0xffff;
	v44 =	vor.u32 s20, v10  }
0x9c: {  	v41 =	vld.idx.msk [tilespmem:v41+s5+$0x0], $0xffff;
	v45 =	vor.u32 s20, v11  }
0x9d: {  	v43 =	vld.idx.msk [tilespmem:v43+s5+$0x0], $0xffff;
	v46 =	vor.u32 s20, v14  }
0x9e: {  	v39 =	vld.idx.msk [tilespmem:v39+s5+$0x0], $0xffff;
	v47 =	vor.u32 s20, v15  }
0x9f: {  	v40 =	vld.idx.msk [tilespmem:v40+s5+$0x0], $0xffff;
	v32 =	vmul.f32 v32, v28  }
0xa0: {  	v33 =	vmul.f32 v33, v29;
	v34 =	vmul.f32 v34, v24;
	v44 =	vld.idx.msk [tilespmem:v44+s5+$0x0], $0xffff  }
0xa1: {  	v35 =	vmul.f32 v35, v16;
	v37 =	vmul.f32 v37, v20;
	v45 =	vld.idx.msk [tilespmem:v45+s5+$0x0], $0xffff  }
0xa2: {  	v38 =	vmul.f32 v38, v17;
	v46 =	vld.idx.msk [tilespmem:v46+s5+$0x0], $0xffff;
	v42 =	vmul.f32 v42, v21  }
0xa3: {  	v47 =	vld.idx.msk [tilespmem:v47+s5+$0x0], $0xffff;
	v41 =	vmul.f32 v41, v18;
	v43 =	vmul.f32 v43, v22  }
0xa4: {  	v39 =	vmul.f32 v39, v19;
	v40 =	vmul.f32 v40, v23;
	v35 =	vadd.f32 v37, v35  }
0xa5: {  	v36 =	vmul.f32 v36, v25;
	v53 =	vadd.f32 v42, v38;
	v41 =	vadd.f32 v43, v41  }
0xa6: {  	v39 =	vadd.f32 v40, v39;
	v54 =	vmul.f32 v44, v26;
	v55 =	vmul.f32 v45, v27  }
0xa7: {  	v34 =	vadd.f32 v34, v35;
	v56 =	vadd.f32 v36, v53;
	v57 =	vmul.f32 v46, v30  }
0xa8: {  	v60 =	vmul.f32 v47, v31;
	v58 =	vadd.f32 v54, v41;
	v59 =	vadd.f32 v55, v39  }
0xa9: {  	v32 =	vadd.f32 v32, v34;
	v33 =	vadd.f32 v33, v56  }
0xaa: {  	v61 =	vadd.f32 v57, v58;
	v62 =	vadd.f32 v60, v59;
	_ =	sdelay $0x1  }
0xab: {  	v32 =	vadd.f32 v33, v32;
	v63 =	vadd.f32 v62, v61  }
.Ltmp5:
0xac: {  	_ = 	snop;
	(pc) =	sbr.rel @p1 .LBB2_8-.Ltmp5, $4  }
0xad: {  	s21 =	smul.u32 $0xC8, s18;
	v32 =	vadd.f32 v63, v32  }
0xae: {  	s19 =	sadd.s32 $0x10, s19  }
0xaf: {  	s22 =	sadd.s32 s4, s21;
	[tilespmem:s19+$0x0] =	vst v32  }
0xb0: {  	[hbm4b:s22+s5] =	stream.linear.scatter [tilespmem:s26], [sflag:$0x3], $0x640, $0x38;
	[tilespmem:$0xD580] =	vst v63  }
0xb1: {  	_ =	swait.ge [sflag:s28], $0xC80  }
0xb2: {  	[sflag:s28] =	ssyncset.done $0x0  }
0xb3: {  	[sflag:s28] =	ssyncadd.s32 $0xFFFFF380  }
0xb4: {  	_ =	swait.ge [sflag:s28], $0xC80  }
0xb5: {  	[sflag:s28] =	ssyncset.done $0x0  }
0xb6: {  	[sflag:s28] =	ssyncadd.s32 $0xFFFFF380  }
0xb7: {  	_ =	swait.ge [sflag:s28], $0xC80  }
0xb8: {  	[sflag:s28] =	ssyncset.done $0x0  }
0xb9: {  	[sflag:s28] =	ssyncadd.s32 $0xFFFFF380  }
0xba: {  	_ =	swait.ge [sflag:s28], $0xC80  }
0xbb: {  	[sflag:s28] =	ssyncset.done $0x0  }
0xbc: {  	[sflag:s28] =	ssyncadd.s32 $0xFFFFF380  }
0xbd: {  	_ =	swait.ge [sflag:s28], $0xC80  }
0xbe: {  	[sflag:s28] =	ssyncset.done $0x0  }
0xbf: {  	[sflag:s28] =	ssyncadd.s32 $0xFFFFF380  }
0xc0: {  	_ =	swait.ge [sflag:s28], $0xC80  }
0xc1: {  	[sflag:s28] =	ssyncset.done $0x0  }
0xc2: {  	[sflag:s28] =	ssyncadd.s32 $0xFFFFF380  }
0xc3: {  	p1 =	sgt.u32 s18, $0x230;
	_ =	swait.ge [sflag:s28], $0xC80  }
0xc4: {  	s18 =	smul.u32 @!p1 $0x6400, s18;
	[sflag:s28] =	ssyncset.done $0x0  }
0xc5: {  	[sflag:s28] =	ssyncadd.s32 $0xFFFFF380  }
0xc6: {  	s18 =	sshrl.u32 @!p1 s18, $0x3;
	_ =	swait.ge [sflag:s28], $0xC80  }
0xc7: {  	s18 =	sadd.s32 @!p1 s6, s18;
	[sflag:s28] =	ssyncset.done $0x0  }
0xc8: {  	s20 =	simm.s32 @!p1 $0x0;
	s19 =	sadd.s32 @!p1 $0x32000, s18;
	[sflag:s28] =	ssyncadd.s32 $0xFFFFF380  }
0xc9: {  	[tilespmem:s20], [sflag:$0x1] =	stream.linear.gather @!p1 [hbm4b:s19+s20], $0xC80, $0x38;
	[tilespmem:$0xD580] =	vst v63  }
0xca: {  	s21 =	simm.s32 @!p1 $0xC80;
	s19 =	sadd.s32 @!p1 $0x32190, s18  }
0xcb: {  	[tilespmem:s21], [sflag:$0x1] =	stream.linear.gather @!p1 [hbm4b:s19+s20], $0xC80, $0x38;
	[tilespmem:$0xD580] =	vst v63  }
0xcc: {  	s19 =	sadd.s32 @!p1 $0x32320, s18;
	s21 =	simm.s32 @!p1 $0x1900  }
0xcd: {  	[tilespmem:s21], [sflag:$0x1] =	stream.linear.gather @!p1 [hbm4b:s19+s20], $0xC80, $0x38;
	[tilespmem:$0xD580] =	vst v63  }
0xce: {  	s19 =	sadd.s32 @!p1 $0x324B0, s18;
	s21 =	simm.s32 @!p1 $0x2580  }
0xcf: {  	[tilespmem:s21], [sflag:$0x1] =	stream.linear.gather @!p1 [hbm4b:s19+s20], $0xC80, $0x38;
	[tilespmem:$0xD580] =	vst v63  }
0xd0: {  	s19 =	sadd.s32 @!p1 $0x32640, s18;
	s21 =	simm.s32 @!p1 $0x3200  }
0xd1: {  	[tilespmem:s21], [sflag:$0x1] =	stream.linear.gather @!p1 [hbm4b:s19+s20], $0xC80, $0x38;
	[tilespmem:$0xD580] =	vst v63  }
0xd2: {  	s19 =	sadd.s32 @!p1 $0x327D0, s18;
	s21 =	simm.s32 @!p1 $0x3E80  }
0xd3: {  	[tilespmem:s21], [sflag:$0x1] =	stream.linear.gather @!p1 [hbm4b:s19+s20], $0xC80, $0x38;
	[tilespmem:$0xD580] =	vst v63  }
0xd4: {  	s19 =	sadd.s32 @!p1 $0x32960, s18;
	s21 =	simm.s32 @!p1 $0x4B00  }
0xd5: {  	[tilespmem:s21], [sflag:$0x1] =	stream.linear.gather @!p1 [hbm4b:s19+s20], $0xC80, $0x38;
	[tilespmem:$0xD580] =	vst v63  }
0xd6: {  	s22 =	simm.s32 $0x0;
	s18 =	sadd.s32 @!p1 $0x32AF0, s18;
	s19 =	simm.s32 @!p1 $0x5780  }
0xd7: {  	v32 =	vor.u32 s22, v12;
	[tilespmem:s19], [sflag:$0x1] =	stream.linear.gather @!p1 [hbm4b:s18+s20], $0xC80, $0x38;
	[tilespmem:$0xD580] =	vst v63  }
0xd8: {  	v33 =	vor.u32 s22, v13;
	s18 =	simm.s32 @!p0 $0x4  }
0xd9: {  	v34 =	vor.u32 s22, v8;
	_ =	swait.ge @!p0 [sflag:s18], $0x640  }
0xda: {  	v35 =	vor.u32 s22, v9;
	[sflag:s18] =	ssyncset.done @!p0 $0x0  }
0xdb: {  	v36 =	vor.u32 s22, v0;
	[sflag:s18] =	ssyncadd.s32 @!p0 $0xFFFFF9C0  }
0xdc: {  	v37 =	vor.u32 s22, v4;
	v32 =	vld.idx.msk [tilespmem:v32+s29+$0x0], $0xffff  }
0xdd: {  	v38 =	vor.u32 s22, v1;
	v33 =	vld.idx.msk [tilespmem:v33+s29+$0x0], $0xffff  }
0xde: {  	v39 =	vor.u32 s22, v5;
	v34 =	vld.idx.msk [tilespmem:v34+s29+$0x0], $0xffff  }
0xdf: {  	v40 =	vor.u32 s22, v2;
	v35 =	vld.idx.msk [tilespmem:v35+s29+$0x0], $0xffff  }
0xe0: {  	v41 =	vor.u32 s22, v6;
	v36 =	vld.idx.msk [tilespmem:v36+s29+$0x0], $0xffff  }
0xe1: {  	v42 =	vor.u32 s22, v3;
	v37 =	vld.idx.msk [tilespmem:v37+s29+$0x0], $0xffff  }
0xe2: {  	v43 =	vor.u32 s22, v7;
	v38 =	vld.idx.msk [tilespmem:v38+s29+$0x0], $0xffff  }
0xe3: {  	v44 =	vor.u32 s22, v10;
	v39 =	vld.idx.msk [tilespmem:v39+s29+$0x0], $0xffff  }
0xe4: {  	v45 =	vor.u32 s22, v11;
	v40 =	vld.idx.msk [tilespmem:v40+s29+$0x0], $0xffff  }
0xe5: {  	v46 =	vor.u32 s22, v14;
	v41 =	vld.idx.msk [tilespmem:v41+s29+$0x0], $0xffff  }
0xe6: {  	v47 =	vor.u32 s22, v15;
	v42 =	vld.idx.msk [tilespmem:v42+s29+$0x0], $0xffff  }
0xe7: {  	v43 =	vld.idx.msk [tilespmem:v43+s29+$0x0], $0xffff;
	v32 =	vmul.f32 v32, v28;
	v33 =	vmul.f32 v33, v29  }
0xe8: {  	v44 =	vld.idx.msk [tilespmem:v44+s29+$0x0], $0xffff;
	v34 =	vmul.f32 v34, v24;
	v35 =	vmul.f32 v35, v25  }
0xe9: {  	v45 =	vld.idx.msk [tilespmem:v45+s29+$0x0], $0xffff;
	v36 =	vmul.f32 v36, v16;
	v37 =	vmul.f32 v37, v20  }
0xea: {  	v46 =	vld.idx.msk [tilespmem:v46+s29+$0x0], $0xffff;
	v38 =	vmul.f32 v38, v17;
	v39 =	vmul.f32 v39, v21  }
0xeb: {  	v47 =	vld.idx.msk [tilespmem:v47+s29+$0x0], $0xffff;
	v40 =	vmul.f32 v40, v18;
	v41 =	vmul.f32 v41, v22  }
0xec: {  	v42 =	vmul.f32 v42, v19;
	v43 =	vmul.f32 v43, v23  }
0xed: {  	v63 =	vmul.f32 v44, v26;
	v36 =	vadd.f32 v37, v36;
	v62 =	vadd.f32 v39, v38  }
0xee: {  	v49 =	vmul.f32 v45, v27;
	v44 =	vadd.f32 v41, v40;
	v48 =	vadd.f32 v43, v42  }
0xef: {  	v50 =	vmul.f32 v46, v30;
	v34 =	vadd.f32 v34, v36;
	v35 =	vadd.f32 v35, v62  }
0xf0: {  	v53 =	vmul.f32 v47, v31;
	v51 =	vadd.f32 v63, v44;
	v52 =	vadd.f32 v49, v48  }
0xf1: {  	v32 =	vadd.f32 v32, v34;
	v33 =	vadd.f32 v33, v35  }
0xf2: {  	v54 =	vadd.f32 v50, v51;
	v55 =	vadd.f32 v53, v52  }
0xf3: {  	s19 =	simm.s32 $0x100  }
0xf4: {  	v56 =	vor.u32 s19, v12;
	v32 =	vadd.f32 v33, v32;
	v57 =	vadd.f32 v55, v54  }
0xf5: {  	v58 =	vor.u32 s19, v13  }
0xf6: {  	v59 =	vor.u32 s19, v8;
	v32 =	vadd.f32 v57, v32  }
0xf7: {  	v60 =	vor.u32 s19, v9;
	s18 =	simm.s32 $0xCE80  }
0xf8: {  	v61 =	vor.u32 s19, v0;
	[tilespmem:s18+$0x0] =	vst v32  }
0xf9: {  	v62 =	vor.u32 s19, v4;
	v32 =	vld.idx.msk [tilespmem:v56+s29+$0x0], $0xffff  }
0xfa: {  	v63 =	vor.u32 s19, v1;
	v33 =	vld.idx.msk [tilespmem:v58+s29+$0x0], $0xffff  }
0xfb: {  	v42 =	vor.u32 s19, v5;
	v34 =	vld.idx.msk [tilespmem:v59+s29+$0x0], $0xffff  }
0xfc: {  	v41 =	vor.u32 s19, v2;
	v36 =	vld.idx.msk [tilespmem:v60+s29+$0x0], $0xffff  }
0xfd: {  	v43 =	vor.u32 s19, v6;
	v35 =	vld.idx.msk [tilespmem:v61+s29+$0x0], $0xffff  }
0xfe: {  	v39 =	vor.u32 s19, v3;
	v37 =	vld.idx.msk [tilespmem:v62+s29+$0x0], $0xffff  }
0xff: {  	s20 =	simm.s32 $0x200;
	v40 =	vor.u32 s19, v7;
	v38 =	vld.idx.msk [tilespmem:v63+s29+$0x0], $0xffff  }
.LBB2_6:
0x100: {  	p0 =	sne.s32 s20, $0x6300;
	v42 =	vld.idx.msk [tilespmem:v42+s29+$0x0], $0xffff;
	v44 =	vor.u32 s19, v10  }
0x101: {  	v45 =	vor.u32 s19, v11;
	v41 =	vld.idx.msk [tilespmem:v41+s29+$0x0], $0xffff  }
0x102: {  	v46 =	vor.u32 s19, v14;
	v43 =	vld.idx.msk [tilespmem:v43+s29+$0x0], $0xffff  }
0x103: {  	v47 =	vor.u32 s19, v15;
	s19 =	smov.u32 s20;
	v39 =	vld.idx.msk [tilespmem:v39+s29+$0x0], $0xffff  }
0x104: {  	v40 =	vld.idx.msk [tilespmem:v40+s29+$0x0], $0xffff  }
0x105: {  	v32 =	vmul.f32 v32, v28;
	v33 =	vmul.f32 v33, v29;
	v44 =	vld.idx.msk [tilespmem:v44+s29+$0x0], $0xffff  }
0x106: {  	v34 =	vmul.f32 v34, v24;
	v36 =	vmul.f32 v36, v25;
	v45 =	vld.idx.msk [tilespmem:v45+s29+$0x0], $0xffff  }
0x107: {  	v35 =	vmul.f32 v35, v16;
	v37 =	vmul.f32 v37, v20;
	v46 =	vld.idx.msk [tilespmem:v46+s29+$0x0], $0xffff  }
0x108: {  	v38 =	vmul.f32 v38, v17;
	v42 =	vmul.f32 v42, v21;
	v47 =	vld.idx.msk [tilespmem:v47+s29+$0x0], $0xffff  }
0x109: {  	v41 =	vmul.f32 v41, v18;
	v43 =	vmul.f32 v43, v22  }
0x10a: {  	v39 =	vmul.f32 v39, v19;
	v40 =	vmul.f32 v40, v23  }
0x10b: {  	v35 =	vadd.f32 v37, v35;
	v37 =	vadd.f32 v42, v38;
	v38 =	vmul.f32 v44, v26  }
0x10c: {  	v41 =	vadd.f32 v43, v41;
	v39 =	vadd.f32 v40, v39;
	v40 =	vmul.f32 v45, v27  }
0x10d: {  	v34 =	vadd.f32 v34, v35;
	v35 =	vadd.f32 v36, v37;
	v36 =	vmul.f32 v46, v30  }
0x10e: {  	v37 =	vadd.f32 v38, v41;
	v38 =	vadd.f32 v40, v39;
	v39 =	vmul.f32 v47, v31  }
0x10f: {  	v32 =	vadd.f32 v32, v34;
	v33 =	vadd.f32 v33, v35  }
0x110: {  	v34 =	vadd.f32 v36, v37;
	v35 =	vadd.f32 v39, v38;
	_ =	sdelay $0x1  }
0x111: {  	v32 =	vadd.f32 v33, v32;
	v36 =	vor.u32 s20, v12;
	v33 =	vadd.f32 v35, v34  }
0x112: {  	v34 =	vor.u32 s20, v13  }
0x113: {  	v35 =	vor.u32 s20, v8;
	v32 =	vadd.f32 v33, v32  }
0x114: {  	s18 =	sadd.s32 $0x10, s18;
	v37 =	vor.u32 s20, v9  }
0x115: {  	v38 =	vor.u32 s20, v0;
	[tilespmem:s18+$0x0] =	vst v32  }
0x116: {  	v40 =	vor.u32 s20, v4;
	v32 =	vld.idx.msk [tilespmem:v36+s29+$0x0], $0xffff  }
0x117: {  	v44 =	vor.u32 s20, v1;
	v33 =	vld.idx.msk [tilespmem:v34+s29+$0x0], $0xffff  }
.Ltmp6:
0x118: {  	v42 =	vor.u32 s20, v5;
	v34 =	vld.idx.msk [tilespmem:v35+s29+$0x0], $0xffff;
	(pc) =	sbr.rel @p0 .LBB2_6-.Ltmp6, $4  }
0x119: {  	v41 =	vor.u32 s20, v2;
	v36 =	vld.idx.msk [tilespmem:v37+s29+$0x0], $0xffff  }
0x11a: {  	v43 =	vor.u32 s20, v6;
	v35 =	vld.idx.msk [tilespmem:v38+s29+$0x0], $0xffff  }
0x11b: {  	v39 =	vor.u32 s20, v3;
	v37 =	vld.idx.msk [tilespmem:v40+s29+$0x0], $0xffff  }
0x11c: {  	s20 =	sadd.s32 $0x100, s20;
	v40 =	vor.u32 s19, v7;
	v38 =	vld.idx.msk [tilespmem:v44+s29+$0x0], $0xffff  }
0x11d: {  	_ =	sdelay $0x3  }
0x11e: {  	v42 =	vld.idx.msk [tilespmem:v42+s29+$0x0], $0xffff;
	v44 =	vor.u32 s19, v10  }
0x11f: {  	v41 =	vld.idx.msk [tilespmem:v41+s29+$0x0], $0xffff;
	v45 =	vor.u32 s19, v11  }
0x120: {  	v43 =	vld.idx.msk [tilespmem:v43+s29+$0x0], $0xffff;
	v46 =	vor.u32 s19, v14  }
0x121: {  	v39 =	vld.idx.msk [tilespmem:v39+s29+$0x0], $0xffff;
	v47 =	vor.u32 s19, v15  }
0x122: {  	v40 =	vld.idx.msk [tilespmem:v40+s29+$0x0], $0xffff;
	v32 =	vmul.f32 v32, v28  }
0x123: {  	v33 =	vmul.f32 v33, v29;
	v34 =	vmul.f32 v34, v24;
	v44 =	vld.idx.msk [tilespmem:v44+s29+$0x0], $0xffff  }
0x124: {  	v35 =	vmul.f32 v35, v16;
	v37 =	vmul.f32 v37, v20;
	v45 =	vld.idx.msk [tilespmem:v45+s29+$0x0], $0xffff  }
0x125: {  	v38 =	vmul.f32 v38, v17;
	v46 =	vld.idx.msk [tilespmem:v46+s29+$0x0], $0xffff;
	v42 =	vmul.f32 v42, v21  }
0x126: {  	v47 =	vld.idx.msk [tilespmem:v47+s29+$0x0], $0xffff;
	v41 =	vmul.f32 v41, v18;
	v43 =	vmul.f32 v43, v22  }
0x127: {  	v39 =	vmul.f32 v39, v19;
	v40 =	vmul.f32 v40, v23;
	v35 =	vadd.f32 v37, v35  }
0x128: {  	v36 =	vmul.f32 v36, v25;
	v53 =	vadd.f32 v42, v38;
	v41 =	vadd.f32 v43, v41  }
0x129: {  	v39 =	vadd.f32 v40, v39;
	v54 =	vmul.f32 v44, v26;
	v55 =	vmul.f32 v45, v27  }
0x12a: {  	v34 =	vadd.f32 v34, v35;
	v56 =	vadd.f32 v36, v53;
	v57 =	vmul.f32 v46, v30  }
0x12b: {  	v60 =	vmul.f32 v47, v31;
	v58 =	vadd.f32 v54, v41;
	v59 =	vadd.f32 v55, v39  }
0x12c: {  	v32 =	vadd.f32 v32, v34;
	v33 =	vadd.f32 v33, v56  }
0x12d: {  	v61 =	vadd.f32 v57, v58;
	v62 =	vadd.f32 v60, v59;
	_ =	sdelay $0x1  }
0x12e: {  	v32 =	vadd.f32 v33, v32;
	v63 =	vadd.f32 v62, v61  }
.Ltmp7:
0x12f: {  	_ = 	snop;
	(pc) =	sbr.rel .LBB2_8-.Ltmp7, $4  }
0x130: {  	s16 =	smul.u32 $0xC8, s16;
	v32 =	vadd.f32 v63, v32  }
0x131: {  	s18 =	sadd.s32 $0x10, s18  }
0x132: {  	s16 =	sadd.s32 s4, s16;
	[tilespmem:s18+$0x0] =	vst v32  }
0x133: {  	[hbm4b:s16+s5] =	stream.linear.scatter [tilespmem:s30], [sflag:$0x4], $0x640, $0x38;
	[tilespmem:$0xD580] =	vst v63  }
.LBB2_10:
0x134: {  	_ =	sfence.sel $0x180000  }
0x135: {  	[bflag:$0x0] =	sbarrier.arrive $0xFFFF  }
0x136: {  	_ =	strace $0x90000047  }
0x137: {  	s0 =	stileid.u32;
	[bflag:$0x2] =	sbarrier.arrive $0xFFFF  }
0x138: {  	p0 =	sne.s32 s0, $0x0;
	s0 =	rddreg [dreg:$0x3]  }
0x139: {  	s0 =	sadd.s32 @!p0 $0x100000, s0  }
0x13a: {  	[sflag:s0] =	ssyncadd.tile.s32 @!p0 $0x1;
	_ =	shalt  }
.Lfunc_end2:
_tile_overlayer_lowered:
.L_overlay_start_2:
0x13b: {  	(tag) =	ssettag $0x2  }
0x13c: {  	s0 =	rddreg [dreg:$0x0];
	s2 =	stileid.u32  }
0x13d: {  	s1 =	rddreg [dreg:$0x1];
	p0 =	sne.s32 s2, $0x0  }
0x13e: {  	s3 =	rddreg [dreg:$0x2];
	[bflag:$0x3] =	sbarrier.arrive $0xFFFF;
	s2 =	simm.s32 @!p0 $0x1C05  }
0x13f: {  	[timem:s3], [sflag:s2] =	dma.local @!p0 [hbm:s0], s1  }
0x140: {  	s0 =	simm.s32 @!p0 $0x5  }
0x141: {  	_ =	swait.ge @!p0 [sflag:s0], s1  }
0x142: {  	s1 =	ssub.s32 @!p0 $0x0, s1;
	[sflag:s0] =	ssyncset.done @!p0 $0x0  }
0x143: {  	[sflag:s0] =	ssyncadd.s32 @!p0 s1  }
0x144: {  	[bflag:$0x3] =	sbarrier.arrive $0xFFFF  }
0x145: {  	_ =	shalt  }

</sc_bundles>
